<compile_context>
chip_gen: v7x
topology: tpu7x:2x2x1
jax: 0.10.2.dev20260603
libtpu: 0.0.44.dev20260713+nightly
codegen_flags: <defaults>
</compile_context>

<pallas_src>
import functools

import jax
import jax.numpy as jnp
from jax import lax
from jax.experimental import pallas as pl
from jax.experimental.pallas import tpu as pltpu
from jax.experimental.pallas import tpu_sc as plsc

_INFO = plsc.get_sparse_core_info()
_NC = _INFO.num_cores
_NS = _INFO.num_subcores
_NW = _NC * _NS
_L = _INFO.num_lanes

_B = 4
_S = 2048
_D = 128
_N = _B * _S
_RPW = _N // _NW
_CH = 128
_NCH = _RPW // _CH


def _body(seq_hbm, lbl_hbm, tok_hbm, segt_hbm, pos_hbm, out_hbm,
          idx_v, lbl_v, seg3_v, tok_v, pos_v, gsem, ssem, wsem):
    wid = lax.axis_index("s") * _NC + lax.axis_index("c")
    base = wid * _RPW
    pos_base = lax.rem(base, _S)

    pltpu.sync_copy(seq_hbm.at[pl.ds(wid * _NCH, _NCH)], idx_v)

    gathers = []
    for j in range(_NCH):
        gathers.append(pltpu.async_copy(
            tok_hbm.at[idx_v.at[j]], tok_v.at[pl.ds(j * _CH, _CH)],
            gsem.at[j]))

    stage = [
        pltpu.async_copy(pos_hbm.at[pl.ds(pos_base, _RPW)], pos_v, ssem),
        pltpu.async_copy(lbl_hbm.at[pl.ds(base, _RPW)], lbl_v, ssem),
        pltpu.async_copy(segt_hbm, seg3_v, ssem),
    ]
    for c in stage:
        c.wait()

    cols = [jax.lax.iota(jnp.int32, _L) + j * _L for j in range(_D // _L)]

    writes = []
    _SB = _CH // 2
    for j in range(_NCH):
        gathers[j].wait()
        for s in range(2):
            @plsc.parallel_loop(0, _SB, step=1, unroll=4)
            def row_add(i, j=j, s=s):
                r = j * _CH + s * _SB + i
                lbl_splat = plsc.load_gather(lbl_v, [jnp.zeros((_L,), jnp.int32) + r])
                for g in range(_D // _L):
                    sl = pl.ds(g * _L, _L)
                    seg_vals = plsc.load_gather(seg3_v, [lbl_splat, cols[g]])
                    plsc.addupdate(tok_v.at[r, sl], pos_v[r, sl] + seg_vals)
            writes.append(pltpu.async_copy(
                tok_v.at[pl.ds(j * _CH + s * _SB, _SB)],
                out_hbm.at[pl.ds(base + j * _CH + s * _SB, _SB)], wsem))
    for c in writes:
        c.wait()


@functools.partial(jax.jit, static_argnames=())
def kernel(sequence, segment_labels, tok_table, seg_table, pos_table):
    batch, seq_len = sequence.shape
    d = tok_table.shape[1]
    seq3 = sequence.reshape(_NW * _NCH, _CH).astype(jnp.int32)
    lbl1 = segment_labels.reshape(_N).astype(jnp.int32)

    run = pl.kernel(
        _body,
        out_type=jax.ShapeDtypeStruct((_N, _D), jnp.float32),
        mesh=plsc.VectorSubcoreMesh(core_axis_name="c", subcore_axis_name="s"),
        compiler_params=pltpu.CompilerParams(needs_layout_passes=False),
        scratch_types=[
            pltpu.VMEM((_NCH, _CH), jnp.int32),
            pltpu.VMEM((_RPW,), jnp.int32),
            pltpu.VMEM((3, _D), jnp.float32),
            pltpu.VMEM((_RPW, _D), jnp.float32),
            pltpu.VMEM((_RPW, _D), jnp.float32),
            pltpu.SemaphoreType.DMA((_NCH,)),
            pltpu.SemaphoreType.DMA,
            pltpu.SemaphoreType.DMA,
        ],
    )
    out = run(seq3, lbl1, tok_table, seg_table, pos_table)
    return out.reshape(batch, seq_len, d)

# --- scband reference (transcript-rebuilt; emitter-appended) ---
"""Pipeline reference for scband-bertembedding-41034117546268 (READ-ONLY COPY).

The authoritative reference and input builder live on the scoring server;
editing this copy changes nothing except your own understanding.
"""

import jax, jax.numpy as jnp
import numpy as np

VOCAB = 100000
D_MODEL = 128
SEQ_LEN = 2048
BATCH = 4

def setup_inputs(seed: int = 0) -> dict:
    key = jax.random.key(seed)
    k1, k2, k3, k4, k5 = jax.random.split(key, 5)
    sequence = jax.random.randint(k1, (BATCH, SEQ_LEN), 0, VOCAB, dtype=jnp.int64 if jax.config.jax_enable_x64 else jnp.int32)
    segment_labels = jax.random.randint(k2, (BATCH, SEQ_LEN), 0, 3, dtype=jnp.int64 if jax.config.jax_enable_x64 else jnp.int32)
    tok_table = jax.random.normal(k3, (VOCAB, D_MODEL), dtype=jnp.float32)
    seg_table = jax.random.normal(k4, (3, D_MODEL), dtype=jnp.float32)
    pos_table = jax.random.normal(k5, (SEQ_LEN, D_MODEL), dtype=jnp.float32)
    return {"sequence": sequence, "segment_labels": segment_labels,
            "tok_table": tok_table, "seg_table": seg_table, "pos_table": pos_table}

def reference(sequence, segment_labels, tok_table, seg_table, pos_table):
    batch_size, max_seq_len = sequence.shape
    # token embedding: gather rows from vocab table
    tok_emb = jnp.take(tok_table, sequence, axis=0)  # [B, S, D]
    # absolute position embedding: positions 0..S-1 broadcast over batch
    positions = jnp.arange(0, max_seq_len)
    pos_emb = jnp.take(pos_table, positions, axis=0)  # [S, D]
    pos_emb = jnp.broadcast_to(pos_emb[None, :, :], (batch_size, max_seq_len, pos_table.shape[1]))
    # segment embedding
    seg_emb = jnp.take(seg_table, segment_labels, axis=0)  # [B, S, D]
    x = tok_emb + pos_emb + seg_emb
    # dropout p=0.0 -> identity
    return x

if __name__ == "__main__":
    import jax
    _d = setup_inputs()
    print(jax.jit(kernel)(*tuple(_d.values())))

</pallas_src>

<mosaic_0001>
#map = affine_map<(d0, d1) -> (0, 0)>
#map1 = affine_map<(d0, d1) -> (0)>
module attributes {stable_mosaic.version = 14 : i64} {
  func.func @_body(%arg0: i32, %arg1: i32, %arg2: memref<64x128xi32, #tpu.memory_space<hbm>>, %arg3: memref<8192xi32, #tpu.memory_space<hbm>>, %arg4: memref<100000x128xf32, #tpu.memory_space<hbm>>, %arg5: memref<3x128xf32, #tpu.memory_space<hbm>>, %arg6: memref<2048x128xf32, #tpu.memory_space<hbm>>, %arg7: memref<8192x128xf32, #tpu.memory_space<hbm>>, %arg8: memref<2x128xi32, #tpu.memory_space<vmem>>, %arg9: memref<256xi32, #tpu.memory_space<vmem>>, %arg10: memref<3x128xf32, #tpu.memory_space<vmem>>, %arg11: memref<256x128xf32, #tpu.memory_space<vmem>>, %arg12: memref<256x128xf32, #tpu.memory_space<vmem>>, %arg13: memref<2x!tpu.dma_semaphore, #tpu.memory_space<semaphore_mem>>, %arg14: memref<!tpu.dma_semaphore, #tpu.memory_space<semaphore_mem>>, %arg15: memref<!tpu.dma_semaphore, #tpu.memory_space<semaphore_mem>>) attributes {dimension_semantics = [#tpu.dimension_semantics<core_parallel>, #tpu.dimension_semantics<subcore_parallel>], iteration_bounds = array<i64: 2, 16>, scalar_prefetch = 0 : i64, scratch_operands = 8 : i64, tpu.core_type = #tpu.core_type<sc_vector_subcore>, window_params = [{transform_indices = #map}, {transform_indices = #map1}, {transform_indices = #map}, {transform_indices = #map}, {transform_indices = #map}, {transform_indices = #map}]} {
    %mul3A = arith.constant 2 : i32
    %mul3A_0 = arith.muli %arg1, %mul3A : i32
    %add3A = arith.addi %mul3A_0, %arg0 : i32
    %mul3A_1 = arith.constant 256 : i32
    %mul3A_2 = arith.muli %add3A, %mul3A_1 : i32
    %rem3A = arith.constant 2048 : i32
    %rem3A_3 = arith.remsi %mul3A_2, %rem3A : i32
    %mul3A_4 = arith.constant 2 : i32
    %mul3A_5 = arith.muli %add3A, %mul3A_4 : i32
    "tpu.region"() ({
      %run_scoped3A = tpu.sem_alloc : memref<!tpu.dma_semaphore, #tpu.memory_space<semaphore_mem>>
      %dma_start3A_206 = arith.constant 0 : i32
      %dma_start3A_207 = tpu.memref_slice %arg2[%mul3A_5, %dma_start3A_206] : memref<64x128xi32, #tpu.memory_space<hbm>> -> memref<2x128xi32, #tpu.memory_space<hbm>>
      %dma_start3A_208 = arith.constant 0 : i32
      %dma_start3A_209 = tpu.memref_slice %arg2[%mul3A_5, %dma_start3A_208] : memref<64x128xi32, #tpu.memory_space<hbm>> -> memref<2x128xi32, #tpu.memory_space<hbm>>
      tpu.enqueue_dma source(%dma_start3A_209 : memref<2x128xi32, #tpu.memory_space<hbm>>) target(%arg8 : memref<2x128xi32, #tpu.memory_space<vmem>>) target_semaphore(%run_scoped3A : memref<!tpu.dma_semaphore, #tpu.memory_space<semaphore_mem>>)
      %dma_wait3A_210 = arith.constant 0 : i32
      %dma_wait3A_211 = tpu.memref_slice %arg2[%mul3A_5, %dma_wait3A_210] : memref<64x128xi32, #tpu.memory_space<hbm>> -> memref<2x128xi32, #tpu.memory_space<hbm>>
      %dma_wait3A_212 = arith.constant 0 : i32
      %dma_wait3A_213 = tpu.memref_slice %arg2[%mul3A_5, %dma_wait3A_212] : memref<64x128xi32, #tpu.memory_space<hbm>> -> memref<2x128xi32, #tpu.memory_space<hbm>>
      tpu.wait_dma2 semaphore(%run_scoped3A : memref<!tpu.dma_semaphore, #tpu.memory_space<semaphore_mem>>) src(%dma_wait3A_213 : memref<2x128xi32, #tpu.memory_space<hbm>>) dst(%arg8 : memref<2x128xi32, #tpu.memory_space<vmem>>)
      tpu.yield
    }) : () -> ()
    %dma_start3A = arith.constant 0 : i32
    %dma_start3A_6 = arith.constant 0 : i32
    %dma_start3A_7 = arith.constant 0 : i32
    %dma_start3A_8 = arith.constant 0 : i32
    %dma_start3A_9 = tpu.memref_slice %arg11[%dma_start3A_7, %dma_start3A_8] : memref<256x128xf32, #tpu.memory_space<vmem>> -> memref<128x128xf32, #tpu.memory_space<vmem>>
    %dma_start3A_10 = arith.constant 0 : i32
    %dma_start3A_11 = tpu.memref_slice %arg8[%dma_start3A, %dma_start3A_10] : memref<2x128xi32, #tpu.memory_space<vmem>> -> memref<1x128xi32, #tpu.memory_space<vmem>>
    %dma_start3A_12 = tpu.memref_squeeze %dma_start3A_11 : memref<1x128xi32, #tpu.memory_space<vmem>> -> memref<128xi32, #tpu.memory_space<vmem>>
    %dma_start3A_13 = arith.constant 0 : i32
    %dma_start3A_14 = arith.constant 0 : i32
    %dma_start3A_15 = tpu.memref_slice %arg4[%dma_start3A_13, %dma_start3A_14] : memref<100000x128xf32, #tpu.memory_space<hbm>> -> memref<100000x128xf32, #tpu.memory_space<hbm>>
    %dma_start3A_16 = tpu.memref_slice %arg13[%dma_start3A_6] : memref<2x!tpu.dma_semaphore, #tpu.memory_space<semaphore_mem>> -> memref<1x!tpu.dma_semaphore, #tpu.memory_space<semaphore_mem>>
    %dma_start3A_17 = tpu.memref_squeeze %dma_start3A_16 : memref<1x!tpu.dma_semaphore, #tpu.memory_space<semaphore_mem>> -> memref<!tpu.dma_semaphore, #tpu.memory_space<semaphore_mem>>
    tpu.enqueue_indirect_dma source(%dma_start3A_15 : memref<100000x128xf32, #tpu.memory_space<hbm>>) target(%dma_start3A_9 : memref<128x128xf32, #tpu.memory_space<vmem>>) offsets(%dma_start3A_12 : memref<128xi32, #tpu.memory_space<vmem>>) semaphore(%dma_start3A_17 : memref<!tpu.dma_semaphore, #tpu.memory_space<semaphore_mem>>)
    %dma_start3A_18 = arith.constant 1 : i32
    %dma_start3A_19 = arith.constant 1 : i32
    %dma_start3A_20 = arith.constant 128 : i32
    %dma_start3A_21 = arith.constant 0 : i32
    %dma_start3A_22 = tpu.memref_slice %arg11[%dma_start3A_20, %dma_start3A_21] : memref<256x128xf32, #tpu.memory_space<vmem>> -> memref<128x128xf32, #tpu.memory_space<vmem>>
    %dma_start3A_23 = arith.constant 0 : i32
    %dma_start3A_24 = tpu.memref_slice %arg8[%dma_start3A_18, %dma_start3A_23] : memref<2x128xi32, #tpu.memory_space<vmem>> -> memref<1x128xi32, #tpu.memory_space<vmem>>
    %dma_start3A_25 = tpu.memref_squeeze %dma_start3A_24 : memref<1x128xi32, #tpu.memory_space<vmem>> -> memref<128xi32, #tpu.memory_space<vmem>>
    %dma_start3A_26 = arith.constant 0 : i32
    %dma_start3A_27 = arith.constant 0 : i32
    %dma_start3A_28 = tpu.memref_slice %arg4[%dma_start3A_26, %dma_start3A_27] : memref<100000x128xf32, #tpu.memory_space<hbm>> -> memref<100000x128xf32, #tpu.memory_space<hbm>>
    %dma_start3A_29 = tpu.memref_slice %arg13[%dma_start3A_19] : memref<2x!tpu.dma_semaphore, #tpu.memory_space<semaphore_mem>> -> memref<1x!tpu.dma_semaphore, #tpu.memory_space<semaphore_mem>>
    %dma_start3A_30 = tpu.memref_squeeze %dma_start3A_29 : memref<1x!tpu.dma_semaphore, #tpu.memory_space<semaphore_mem>> -> memref<!tpu.dma_semaphore, #tpu.memory_space<semaphore_mem>>
    tpu.enqueue_indirect_dma source(%dma_start3A_28 : memref<100000x128xf32, #tpu.memory_space<hbm>>) target(%dma_start3A_22 : memref<128x128xf32, #tpu.memory_space<vmem>>) offsets(%dma_start3A_25 : memref<128xi32, #tpu.memory_space<vmem>>) semaphore(%dma_start3A_30 : memref<!tpu.dma_semaphore, #tpu.memory_space<semaphore_mem>>)
    %dma_start3A_31 = arith.constant 0 : i32
    %dma_start3A_32 = tpu.memref_slice %arg6[%rem3A_3, %dma_start3A_31] : memref<2048x128xf32, #tpu.memory_space<hbm>> -> memref<256x128xf32, #tpu.memory_space<hbm>>
    %dma_start3A_33 = arith.constant 0 : i32
    %dma_start3A_34 = tpu.memref_slice %arg6[%rem3A_3, %dma_start3A_33] : memref<2048x128xf32, #tpu.memory_space<hbm>> -> memref<256x128xf32, #tpu.memory_space<hbm>>
    tpu.enqueue_dma source(%dma_start3A_34 : memref<256x128xf32, #tpu.memory_space<hbm>>) target(%arg12 : memref<256x128xf32, #tpu.memory_space<vmem>>) target_semaphore(%arg14 : memref<!tpu.dma_semaphore, #tpu.memory_space<semaphore_mem>>)
    %dma_start3A_35 = tpu.memref_slice %arg3[%mul3A_2] : memref<8192xi32, #tpu.memory_space<hbm>> -> memref<256xi32, #tpu.memory_space<hbm>>
    %dma_start3A_36 = tpu.memref_slice %arg3[%mul3A_2] : memref<8192xi32, #tpu.memory_space<hbm>> -> memref<256xi32, #tpu.memory_space<hbm>>
    tpu.enqueue_dma source(%dma_start3A_36 : memref<256xi32, #tpu.memory_space<hbm>>) target(%arg9 : memref<256xi32, #tpu.memory_space<vmem>>) target_semaphore(%arg14 : memref<!tpu.dma_semaphore, #tpu.memory_space<semaphore_mem>>)
    tpu.enqueue_dma source(%arg5 : memref<3x128xf32, #tpu.memory_space<hbm>>) target(%arg10 : memref<3x128xf32, #tpu.memory_space<vmem>>) target_semaphore(%arg14 : memref<!tpu.dma_semaphore, #tpu.memory_space<semaphore_mem>>)
    %dma_wait3A = arith.constant 0 : i32
    %dma_wait3A_37 = tpu.memref_slice %arg6[%rem3A_3, %dma_wait3A] : memref<2048x128xf32, #tpu.memory_space<hbm>> -> memref<256x128xf32, #tpu.memory_space<hbm>>
    %dma_wait3A_38 = arith.constant 0 : i32
    %dma_wait3A_39 = tpu.memref_slice %arg6[%rem3A_3, %dma_wait3A_38] : memref<2048x128xf32, #tpu.memory_space<hbm>> -> memref<256x128xf32, #tpu.memory_space<hbm>>
    tpu.wait_dma2 semaphore(%arg14 : memref<!tpu.dma_semaphore, #tpu.memory_space<semaphore_mem>>) src(%dma_wait3A_39 : memref<256x128xf32, #tpu.memory_space<hbm>>) dst(%arg12 : memref<256x128xf32, #tpu.memory_space<vmem>>)
    %dma_wait3A_40 = tpu.memref_slice %arg3[%mul3A_2] : memref<8192xi32, #tpu.memory_space<hbm>> -> memref<256xi32, #tpu.memory_space<hbm>>
    %dma_wait3A_41 = tpu.memref_slice %arg3[%mul3A_2] : memref<8192xi32, #tpu.memory_space<hbm>> -> memref<256xi32, #tpu.memory_space<hbm>>
    tpu.wait_dma2 semaphore(%arg14 : memref<!tpu.dma_semaphore, #tpu.memory_space<semaphore_mem>>) src(%dma_wait3A_41 : memref<256xi32, #tpu.memory_space<hbm>>) dst(%arg9 : memref<256xi32, #tpu.memory_space<vmem>>)
    tpu.wait_dma2 semaphore(%arg14 : memref<!tpu.dma_semaphore, #tpu.memory_space<semaphore_mem>>) src(%arg5 : memref<3x128xf32, #tpu.memory_space<hbm>>) dst(%arg10 : memref<3x128xf32, #tpu.memory_space<vmem>>)
    %iota3A = tpu.iota {dimensions = array<i32: 0>} : vector<16xi32>
    %add3A_42 = arith.constant 0 : i32
    %add3A_43 = vector.broadcast %add3A_42 : i32 to vector<16xi32>
    %add3A_44 = arith.addi %iota3A, %add3A_43 : vector<16xi32>
    %iota3A_45 = tpu.iota {dimensions = array<i32: 0>} : vector<16xi32>
    %add3A_46 = arith.constant 16 : i32
    %add3A_47 = vector.broadcast %add3A_46 : i32 to vector<16xi32>
    %add3A_48 = arith.addi %iota3A_45, %add3A_47 : vector<16xi32>
    %iota3A_49 = tpu.iota {dimensions = array<i32: 0>} : vector<16xi32>
    %add3A_50 = arith.constant 32 : i32
    %add3A_51 = vector.broadcast %add3A_50 : i32 to vector<16xi32>
    %add3A_52 = arith.addi %iota3A_49, %add3A_51 : vector<16xi32>
    %iota3A_53 = tpu.iota {dimensions = array<i32: 0>} : vector<16xi32>
    %add3A_54 = arith.constant 48 : i32
    %add3A_55 = vector.broadcast %add3A_54 : i32 to vector<16xi32>
    %add3A_56 = arith.addi %iota3A_53, %add3A_55 : vector<16xi32>
    %iota3A_57 = tpu.iota {dimensions = array<i32: 0>} : vector<16xi32>
    %add3A_58 = arith.constant 64 : i32
    %add3A_59 = vector.broadcast %add3A_58 : i32 to vector<16xi32>
    %add3A_60 = arith.addi %iota3A_57, %add3A_59 : vector<16xi32>
    %iota3A_61 = tpu.iota {dimensions = array<i32: 0>} : vector<16xi32>
    %add3A_62 = arith.constant 80 : i32
    %add3A_63 = vector.broadcast %add3A_62 : i32 to vector<16xi32>
    %add3A_64 = arith.addi %iota3A_61, %add3A_63 : vector<16xi32>
    %iota3A_65 = tpu.iota {dimensions = array<i32: 0>} : vector<16xi32>
    %add3A_66 = arith.constant 96 : i32
    %add3A_67 = vector.broadcast %add3A_66 : i32 to vector<16xi32>
    %add3A_68 = arith.addi %iota3A_65, %add3A_67 : vector<16xi32>
    %iota3A_69 = tpu.iota {dimensions = array<i32: 0>} : vector<16xi32>
    %add3A_70 = arith.constant 112 : i32
    %add3A_71 = vector.broadcast %add3A_70 : i32 to vector<16xi32>
    %add3A_72 = arith.addi %iota3A_69, %add3A_71 : vector<16xi32>
    %dma_wait3A_73 = arith.constant 0 : i32
    %dma_wait3A_74 = arith.constant 0 : i32
    %dma_wait3A_75 = arith.constant 0 : i32
    %dma_wait3A_76 = arith.constant 0 : i32
    %dma_wait3A_77 = tpu.memref_slice %arg11[%dma_wait3A_75, %dma_wait3A_76] : memref<256x128xf32, #tpu.memory_space<vmem>> -> memref<128x128xf32, #tpu.memory_space<vmem>>
    %dma_wait3A_78 = arith.constant 0 : i32
    %dma_wait3A_79 = tpu.memref_slice %arg8[%dma_wait3A_73, %dma_wait3A_78] : memref<2x128xi32, #tpu.memory_space<vmem>> -> memref<1x128xi32, #tpu.memory_space<vmem>>
    %dma_wait3A_80 = tpu.memref_squeeze %dma_wait3A_79 : memref<1x128xi32, #tpu.memory_space<vmem>> -> memref<128xi32, #tpu.memory_space<vmem>>
    %dma_wait3A_81 = arith.constant 0 : i32
    %dma_wait3A_82 = arith.constant 0 : i32
    %dma_wait3A_83 = tpu.memref_slice %arg4[%dma_wait3A_81, %dma_wait3A_82] : memref<100000x128xf32, #tpu.memory_space<hbm>> -> memref<100000x128xf32, #tpu.memory_space<hbm>>
    %dma_wait3A_84 = tpu.memref_slice %arg13[%dma_wait3A_74] : memref<2x!tpu.dma_semaphore, #tpu.memory_space<semaphore_mem>> -> memref<1x!tpu.dma_semaphore, #tpu.memory_space<semaphore_mem>>
    %dma_wait3A_85 = tpu.memref_squeeze %dma_wait3A_84 : memref<1x!tpu.dma_semaphore, #tpu.memory_space<semaphore_mem>> -> memref<!tpu.dma_semaphore, #tpu.memory_space<semaphore_mem>>
    tpu.wait_indirect_dma semaphore(%dma_wait3A_85 : memref<!tpu.dma_semaphore, #tpu.memory_space<semaphore_mem>>) src(%dma_wait3A_83 : memref<100000x128xf32, #tpu.memory_space<hbm>>) dst(%dma_wait3A_77 : memref<128x128xf32, #tpu.memory_space<vmem>>)
    %parallel_loop3A = arith.constant 0 : i32
    %parallel_loop3A_86 = arith.constant 64 : i32
    %parallel_loop3A_87 = arith.constant 1 : i32
    scf.for %parallel_loop3A_206 = %parallel_loop3A to %parallel_loop3A_86 step %parallel_loop3A_87  : i32 {
      %parallel_loop3A_207 = arith.constant 0 : i32
      %parallel_loop3A_208 = arith.addi %parallel_loop3A_207, %parallel_loop3A_206 : i32
      %parallel_loop3A_209 = arith.constant 0 : i32
      %parallel_loop3A_210 = vector.broadcast %parallel_loop3A_209 : i32 to vector<16xi32>
      %parallel_loop3A_211 = vector.broadcast %parallel_loop3A_208 : i32 to vector<16xi32>
      %parallel_loop3A_212 = arith.addi %parallel_loop3A_210, %parallel_loop3A_211 : vector<16xi32>
      %parallel_loop3A_213 = tpu.vector_load_idx %arg9[%parallel_loop3A_212] : memref<256xi32, #tpu.memory_space<vmem>>[vector<16xi32>], vector<16xi32>,
      %parallel_loop3A_214 = tpu.vector_load_idx %arg10[%parallel_loop3A_213, %add3A_44] : memref<3x128xf32, #tpu.memory_space<vmem>>[vector<16xi32>, vector<16xi32>], vector<16xf32>,
      %parallel_loop3A_215 = arith.index_cast %parallel_loop3A_208 : i32 to index
      %parallel_loop3A_216 = arith.constant 0 : index
      %parallel_loop3A_217 = tpu.vector_load %arg12[%parallel_loop3A_215, %parallel_loop3A_216] {strides = array<i32>} : memref<256x128xf32, #tpu.memory_space<vmem>>, vector<16xf32>,
      %parallel_loop3A_218 = arith.addf %parallel_loop3A_217, %parallel_loop3A_214 : vector<16xf32>
      %parallel_loop3A_219 = arith.index_cast %parallel_loop3A_208 : i32 to index
      %parallel_loop3A_220 = arith.constant 0 : index
      %parallel_loop3A_221 = tpu.vector_load %arg11[%parallel_loop3A_219, %parallel_loop3A_220] {strides = array<i32>} : memref<256x128xf32, #tpu.memory_space<vmem>>, vector<16xf32>,
      tpu.vector_store %arg11[%parallel_loop3A_219, %parallel_loop3A_220], %parallel_loop3A_218 {add = true, strides = array<i32>} : memref<256x128xf32, #tpu.memory_space<vmem>>, vector<16xf32>,
      %parallel_loop3A_222 = tpu.vector_load_idx %arg10[%parallel_loop3A_213, %add3A_48] : memref<3x128xf32, #tpu.memory_space<vmem>>[vector<16xi32>, vector<16xi32>], vector<16xf32>,
      %parallel_loop3A_223 = arith.index_cast %parallel_loop3A_208 : i32 to index
      %parallel_loop3A_224 = arith.constant 16 : index
      %parallel_loop3A_225 = tpu.vector_load %arg12[%parallel_loop3A_223, %parallel_loop3A_224] {strides = array<i32>} : memref<256x128xf32, #tpu.memory_space<vmem>>, vector<16xf32>,
      %parallel_loop3A_226 = arith.addf %parallel_loop3A_225, %parallel_loop3A_222 : vector<16xf32>
      %parallel_loop3A_227 = arith.index_cast %parallel_loop3A_208 : i32 to index
      %parallel_loop3A_228 = arith.constant 16 : index
      %parallel_loop3A_229 = tpu.vector_load %arg11[%parallel_loop3A_227, %parallel_loop3A_228] {strides = array<i32>} : memref<256x128xf32, #tpu.memory_space<vmem>>, vector<16xf32>,
      tpu.vector_store %arg11[%parallel_loop3A_227, %parallel_loop3A_228], %parallel_loop3A_226 {add = true, strides = array<i32>} : memref<256x128xf32, #tpu.memory_space<vmem>>, vector<16xf32>,
      %parallel_loop3A_230 = tpu.vector_load_idx %arg10[%parallel_loop3A_213, %add3A_52] : memref<3x128xf32, #tpu.memory_space<vmem>>[vector<16xi32>, vector<16xi32>], vector<16xf32>,
      %parallel_loop3A_231 = arith.index_cast %parallel_loop3A_208 : i32 to index
      %parallel_loop3A_232 = arith.constant 32 : index
      %parallel_loop3A_233 = tpu.vector_load %arg12[%parallel_loop3A_231, %parallel_loop3A_232] {strides = array<i32>} : memref<256x128xf32, #tpu.memory_space<vmem>>, vector<16xf32>,
      %parallel_loop3A_234 = arith.addf %parallel_loop3A_233, %parallel_loop3A_230 : vector<16xf32>
      %parallel_loop3A_235 = arith.index_cast %parallel_loop3A_208 : i32 to index
      %parallel_loop3A_236 = arith.constant 32 : index
      %parallel_loop3A_237 = tpu.vector_load %arg11[%parallel_loop3A_235, %parallel_loop3A_236] {strides = array<i32>} : memref<256x128xf32, #tpu.memory_space<vmem>>, vector<16xf32>,
      tpu.vector_store %arg11[%parallel_loop3A_235, %parallel_loop3A_236], %parallel_loop3A_234 {add = true, strides = array<i32>} : memref<256x128xf32, #tpu.memory_space<vmem>>, vector<16xf32>,
      %parallel_loop3A_238 = tpu.vector_load_idx %arg10[%parallel_loop3A_213, %add3A_56] : memref<3x128xf32, #tpu.memory_space<vmem>>[vector<16xi32>, vector<16xi32>], vector<16xf32>,
      %parallel_loop3A_239 = arith.index_cast %parallel_loop3A_208 : i32 to index
      %parallel_loop3A_240 = arith.constant 48 : index
      %parallel_loop3A_241 = tpu.vector_load %arg12[%parallel_loop3A_239, %parallel_loop3A_240] {strides = array<i32>} : memref<256x128xf32, #tpu.memory_space<vmem>>, vector<16xf32>,
      %parallel_loop3A_242 = arith.addf %parallel_loop3A_241, %parallel_loop3A_238 : vector<16xf32>
      %parallel_loop3A_243 = arith.index_cast %parallel_loop3A_208 : i32 to index
      %parallel_loop3A_244 = arith.constant 48 : index
      %parallel_loop3A_245 = tpu.vector_load %arg11[%parallel_loop3A_243, %parallel_loop3A_244] {strides = array<i32>} : memref<256x128xf32, #tpu.memory_space<vmem>>, vector<16xf32>,
      tpu.vector_store %arg11[%parallel_loop3A_243, %parallel_loop3A_244], %parallel_loop3A_242 {add = true, strides = array<i32>} : memref<256x128xf32, #tpu.memory_space<vmem>>, vector<16xf32>,
      %parallel_loop3A_246 = tpu.vector_load_idx %arg10[%parallel_loop3A_213, %add3A_60] : memref<3x128xf32, #tpu.memory_space<vmem>>[vector<16xi32>, vector<16xi32>], vector<16xf32>,
      %parallel_loop3A_247 = arith.index_cast %parallel_loop3A_208 : i32 to index
      %parallel_loop3A_248 = arith.constant 64 : index
      %parallel_loop3A_249 = tpu.vector_load %arg12[%parallel_loop3A_247, %parallel_loop3A_248] {strides = array<i32>} : memref<256x128xf32, #tpu.memory_space<vmem>>, vector<16xf32>,
      %parallel_loop3A_250 = arith.addf %parallel_loop3A_249, %parallel_loop3A_246 : vector<16xf32>
      %parallel_loop3A_251 = arith.index_cast %parallel_loop3A_208 : i32 to index
      %parallel_loop3A_252 = arith.constant 64 : index
      %parallel_loop3A_253 = tpu.vector_load %arg11[%parallel_loop3A_251, %parallel_loop3A_252] {strides = array<i32>} : memref<256x128xf32, #tpu.memory_space<vmem>>, vector<16xf32>,
      tpu.vector_store %arg11[%parallel_loop3A_251, %parallel_loop3A_252], %parallel_loop3A_250 {add = true, strides = array<i32>} : memref<256x128xf32, #tpu.memory_space<vmem>>, vector<16xf32>,
      %parallel_loop3A_254 = tpu.vector_load_idx %arg10[%parallel_loop3A_213, %add3A_64] : memref<3x128xf32, #tpu.memory_space<vmem>>[vector<16xi32>, vector<16xi32>], vector<16xf32>,
      %parallel_loop3A_255 = arith.index_cast %parallel_loop3A_208 : i32 to index
      %parallel_loop3A_256 = arith.constant 80 : index
      %parallel_loop3A_257 = tpu.vector_load %arg12[%parallel_loop3A_255, %parallel_loop3A_256] {strides = array<i32>} : memref<256x128xf32, #tpu.memory_space<vmem>>, vector<16xf32>,
      %parallel_loop3A_258 = arith.addf %parallel_loop3A_257, %parallel_loop3A_254 : vector<16xf32>
      %parallel_loop3A_259 = arith.index_cast %parallel_loop3A_208 : i32 to index
      %parallel_loop3A_260 = arith.constant 80 : index
      %parallel_loop3A_261 = tpu.vector_load %arg11[%parallel_loop3A_259, %parallel_loop3A_260] {strides = array<i32>} : memref<256x128xf32, #tpu.memory_space<vmem>>, vector<16xf32>,
      tpu.vector_store %arg11[%parallel_loop3A_259, %parallel_loop3A_260], %parallel_loop3A_258 {add = true, strides = array<i32>} : memref<256x128xf32, #tpu.memory_space<vmem>>, vector<16xf32>,
      %parallel_loop3A_262 = tpu.vector_load_idx %arg10[%parallel_loop3A_213, %add3A_68] : memref<3x128xf32, #tpu.memory_space<vmem>>[vector<16xi32>, vector<16xi32>], vector<16xf32>,
      %parallel_loop3A_263 = arith.index_cast %parallel_loop3A_208 : i32 to index
      %parallel_loop3A_264 = arith.constant 96 : index
      %parallel_loop3A_265 = tpu.vector_load %arg12[%parallel_loop3A_263, %parallel_loop3A_264] {strides = array<i32>} : memref<256x128xf32, #tpu.memory_space<vmem>>, vector<16xf32>,
      %parallel_loop3A_266 = arith.addf %parallel_loop3A_265, %parallel_loop3A_262 : vector<16xf32>
      %parallel_loop3A_267 = arith.index_cast %parallel_loop3A_208 : i32 to index
      %parallel_loop3A_268 = arith.constant 96 : index
      %parallel_loop3A_269 = tpu.vector_load %arg11[%parallel_loop3A_267, %parallel_loop3A_268] {strides = array<i32>} : memref<256x128xf32, #tpu.memory_space<vmem>>, vector<16xf32>,
      tpu.vector_store %arg11[%parallel_loop3A_267, %parallel_loop3A_268], %parallel_loop3A_266 {add = true, strides = array<i32>} : memref<256x128xf32, #tpu.memory_space<vmem>>, vector<16xf32>,
      %parallel_loop3A_270 = tpu.vector_load_idx %arg10[%parallel_loop3A_213, %add3A_72] : memref<3x128xf32, #tpu.memory_space<vmem>>[vector<16xi32>, vector<16xi32>], vector<16xf32>,
      %parallel_loop3A_271 = arith.index_cast %parallel_loop3A_208 : i32 to index
      %parallel_loop3A_272 = arith.constant 112 : index
      %parallel_loop3A_273 = tpu.vector_load %arg12[%parallel_loop3A_271, %parallel_loop3A_272] {strides = array<i32>} : memref<256x128xf32, #tpu.memory_space<vmem>>, vector<16xf32>,
      %parallel_loop3A_274 = arith.addf %parallel_loop3A_273, %parallel_loop3A_270 : vector<16xf32>
      %parallel_loop3A_275 = arith.index_cast %parallel_loop3A_208 : i32 to index
      %parallel_loop3A_276 = arith.constant 112 : index
      %parallel_loop3A_277 = tpu.vector_load %arg11[%parallel_loop3A_275, %parallel_loop3A_276] {strides = array<i32>} : memref<256x128xf32, #tpu.memory_space<vmem>>, vector<16xf32>,
      tpu.vector_store %arg11[%parallel_loop3A_275, %parallel_loop3A_276], %parallel_loop3A_274 {add = true, strides = array<i32>} : memref<256x128xf32, #tpu.memory_space<vmem>>, vector<16xf32>,
    } {sc.loop_unroll_factor = 4 : i64, sc.parallel_access}
    %add3A_88 = arith.constant 0 : i32
    %add3A_89 = arith.addi %mul3A_2, %add3A_88 : i32
    %add3A_90 = arith.constant 0 : i32
    %add3A_91 = arith.addi %add3A_89, %add3A_90 : i32
    %dma_start3A_92 = arith.constant 0 : i32
    %dma_start3A_93 = arith.constant 0 : i32
    %dma_start3A_94 = tpu.memref_slice %arg11[%dma_start3A_92, %dma_start3A_93] : memref<256x128xf32, #tpu.memory_space<vmem>> -> memref<64x128xf32, #tpu.memory_space<vmem>>
    %dma_start3A_95 = arith.constant 0 : i32
    %dma_start3A_96 = tpu.memref_slice %arg7[%add3A_91, %dma_start3A_95] : memref<8192x128xf32, #tpu.memory_space<hbm>> -> memref<64x128xf32, #tpu.memory_space<hbm>>
    %dma_start3A_97 = arith.constant 0 : i32
    %dma_start3A_98 = tpu.memref_slice %arg7[%add3A_91, %dma_start3A_97] : memref<8192x128xf32, #tpu.memory_space<hbm>> -> memref<64x128xf32, #tpu.memory_space<hbm>>
    %dma_start3A_99 = arith.constant 0 : i32
    %dma_start3A_100 = arith.constant 0 : i32
    %dma_start3A_101 = tpu.memref_slice %arg11[%dma_start3A_99, %dma_start3A_100] : memref<256x128xf32, #tpu.memory_space<vmem>> -> memref<64x128xf32, #tpu.memory_space<vmem>>
    tpu.enqueue_dma source(%dma_start3A_101 : memref<64x128xf32, #tpu.memory_space<vmem>>) target(%dma_start3A_98 : memref<64x128xf32, #tpu.memory_space<hbm>>) target_semaphore(%arg15 : memref<!tpu.dma_semaphore, #tpu.memory_space<semaphore_mem>>)
    %parallel_loop3A_102 = arith.constant 0 : i32
    %parallel_loop3A_103 = arith.constant 64 : i32
    %parallel_loop3A_104 = arith.constant 1 : i32
    scf.for %parallel_loop3A_206 = %parallel_loop3A_102 to %parallel_loop3A_103 step %parallel_loop3A_104  : i32 {
      %parallel_loop3A_207 = arith.constant 64 : i32
      %parallel_loop3A_208 = arith.addi %parallel_loop3A_207, %parallel_loop3A_206 : i32
      %parallel_loop3A_209 = arith.constant 0 : i32
      %parallel_loop3A_210 = vector.broadcast %parallel_loop3A_209 : i32 to vector<16xi32>
      %parallel_loop3A_211 = vector.broadcast %parallel_loop3A_208 : i32 to vector<16xi32>
      %parallel_loop3A_212 = arith.addi %parallel_loop3A_210, %parallel_loop3A_211 : vector<16xi32>
      %parallel_loop3A_213 = tpu.vector_load_idx %arg9[%parallel_loop3A_212] : memref<256xi32, #tpu.memory_space<vmem>>[vector<16xi32>], vector<16xi32>,
      %parallel_loop3A_214 = tpu.vector_load_idx %arg10[%parallel_loop3A_213, %add3A_44] : memref<3x128xf32, #tpu.memory_space<vmem>>[vector<16xi32>, vector<16xi32>], vector<16xf32>,
      %parallel_loop3A_215 = arith.index_cast %parallel_loop3A_208 : i32 to index
      %parallel_loop3A_216 = arith.constant 0 : index
      %parallel_loop3A_217 = tpu.vector_load %arg12[%parallel_loop3A_215, %parallel_loop3A_216] {strides = array<i32>} : memref<256x128xf32, #tpu.memory_space<vmem>>, vector<16xf32>,
      %parallel_loop3A_218 = arith.addf %parallel_loop3A_217, %parallel_loop3A_214 : vector<16xf32>
      %parallel_loop3A_219 = arith.index_cast %parallel_loop3A_208 : i32 to index
      %parallel_loop3A_220 = arith.constant 0 : index
      %parallel_loop3A_221 = tpu.vector_load %arg11[%parallel_loop3A_219, %parallel_loop3A_220] {strides = array<i32>} : memref<256x128xf32, #tpu.memory_space<vmem>>, vector<16xf32>,
      tpu.vector_store %arg11[%parallel_loop3A_219, %parallel_loop3A_220], %parallel_loop3A_218 {add = true, strides = array<i32>} : memref<256x128xf32, #tpu.memory_space<vmem>>, vector<16xf32>,
      %parallel_loop3A_222 = tpu.vector_load_idx %arg10[%parallel_loop3A_213, %add3A_48] : memref<3x128xf32, #tpu.memory_space<vmem>>[vector<16xi32>, vector<16xi32>], vector<16xf32>,
      %parallel_loop3A_223 = arith.index_cast %parallel_loop3A_208 : i32 to index
      %parallel_loop3A_224 = arith.constant 16 : index
      %parallel_loop3A_225 = tpu.vector_load %arg12[%parallel_loop3A_223, %parallel_loop3A_224] {strides = array<i32>} : memref<256x128xf32, #tpu.memory_space<vmem>>, vector<16xf32>,
      %parallel_loop3A_226 = arith.addf %parallel_loop3A_225, %parallel_loop3A_222 : vector<16xf32>
      %parallel_loop3A_227 = arith.index_cast %parallel_loop3A_208 : i32 to index
      %parallel_loop3A_228 = arith.constant 16 : index
      %parallel_loop3A_229 = tpu.vector_load %arg11[%parallel_loop3A_227, %parallel_loop3A_228] {strides = array<i32>} : memref<256x128xf32, #tpu.memory_space<vmem>>, vector<16xf32>,
      tpu.vector_store %arg11[%parallel_loop3A_227, %parallel_loop3A_228], %parallel_loop3A_226 {add = true, strides = array<i32>} : memref<256x128xf32, #tpu.memory_space<vmem>>, vector<16xf32>,
      %parallel_loop3A_230 = tpu.vector_load_idx %arg10[%parallel_loop3A_213, %add3A_52] : memref<3x128xf32, #tpu.memory_space<vmem>>[vector<16xi32>, vector<16xi32>], vector<16xf32>,
      %parallel_loop3A_231 = arith.index_cast %parallel_loop3A_208 : i32 to index
      %parallel_loop3A_232 = arith.constant 32 : index
      %parallel_loop3A_233 = tpu.vector_load %arg12[%parallel_loop3A_231, %parallel_loop3A_232] {strides = array<i32>} : memref<256x128xf32, #tpu.memory_space<vmem>>, vector<16xf32>,
      %parallel_loop3A_234 = arith.addf %parallel_loop3A_233, %parallel_loop3A_230 : vector<16xf32>
      %parallel_loop3A_235 = arith.index_cast %parallel_loop3A_208 : i32 to index
      %parallel_loop3A_236 = arith.constant 32 : index
      %parallel_loop3A_237 = tpu.vector_load %arg11[%parallel_loop3A_235, %parallel_loop3A_236] {strides = array<i32>} : memref<256x128xf32, #tpu.memory_space<vmem>>, vector<16xf32>,
      tpu.vector_store %arg11[%parallel_loop3A_235, %parallel_loop3A_236], %parallel_loop3A_234 {add = true, strides = array<i32>} : memref<256x128xf32, #tpu.memory_space<vmem>>, vector<16xf32>,
      %parallel_loop3A_238 = tpu.vector_load_idx %arg10[%parallel_loop3A_213, %add3A_56] : memref<3x128xf32, #tpu.memory_space<vmem>>[vector<16xi32>, vector<16xi32>], vector<16xf32>,
      %parallel_loop3A_239 = arith.index_cast %parallel_loop3A_208 : i32 to index
      %parallel_loop3A_240 = arith.constant 48 : index
      %parallel_loop3A_241 = tpu.vector_load %arg12[%parallel_loop3A_239, %parallel_loop3A_240] {strides = array<i32>} : memref<256x128xf32, #tpu.memory_space<vmem>>, vector<16xf32>,
      %parallel_loop3A_242 = arith.addf %parallel_loop3A_241, %parallel_loop3A_238 : vector<16xf32>
      %parallel_loop3A_243 = arith.index_cast %parallel_loop3A_208 : i32 to index
      %parallel_loop3A_244 = arith.constant 48 : index
      %parallel_loop3A_245 = tpu.vector_load %arg11[%parallel_loop3A_243, %parallel_loop3A_244] {strides = array<i32>} : memref<256x128xf32, #tpu.memory_space<vmem>>, vector<16xf32>,
      tpu.vector_store %arg11[%parallel_loop3A_243, %parallel_loop3A_244], %parallel_loop3A_242 {add = true, strides = array<i32>} : memref<256x128xf32, #tpu.memory_space<vmem>>, vector<16xf32>,
      %parallel_loop3A_246 = tpu.vector_load_idx %arg10[%parallel_loop3A_213, %add3A_60] : memref<3x128xf32, #tpu.memory_space<vmem>>[vector<16xi32>, vector<16xi32>], vector<16xf32>,
      %parallel_loop3A_247 = arith.index_cast %parallel_loop3A_208 : i32 to index
      %parallel_loop3A_248 = arith.constant 64 : index
      %parallel_loop3A_249 = tpu.vector_load %arg12[%parallel_loop3A_247, %parallel_loop3A_248] {strides = array<i32>} : memref<256x128xf32, #tpu.memory_space<vmem>>, vector<16xf32>,
      %parallel_loop3A_250 = arith.addf %parallel_loop3A_249, %parallel_loop3A_246 : vector<16xf32>
      %parallel_loop3A_251 = arith.index_cast %parallel_loop3A_208 : i32 to index
      %parallel_loop3A_252 = arith.constant 64 : index
      %parallel_loop3A_253 = tpu.vector_load %arg11[%parallel_loop3A_251, %parallel_loop3A_252] {strides = array<i32>} : memref<256x128xf32, #tpu.memory_space<vmem>>, vector<16xf32>,
      tpu.vector_store %arg11[%parallel_loop3A_251, %parallel_loop3A_252], %parallel_loop3A_250 {add = true, strides = array<i32>} : memref<256x128xf32, #tpu.memory_space<vmem>>, vector<16xf32>,
      %parallel_loop3A_254 = tpu.vector_load_idx %arg10[%parallel_loop3A_213, %add3A_64] : memref<3x128xf32, #tpu.memory_space<vmem>>[vector<16xi32>, vector<16xi32>], vector<16xf32>,
      %parallel_loop3A_255 = arith.index_cast %parallel_loop3A_208 : i32 to index
      %parallel_loop3A_256 = arith.constant 80 : index
      %parallel_loop3A_257 = tpu.vector_load %arg12[%parallel_loop3A_255, %parallel_loop3A_256] {strides = array<i32>} : memref<256x128xf32, #tpu.memory_space<vmem>>, vector<16xf32>,
      %parallel_loop3A_258 = arith.addf %parallel_loop3A_257, %parallel_loop3A_254 : vector<16xf32>
      %parallel_loop3A_259 = arith.index_cast %parallel_loop3A_208 : i32 to index
      %parallel_loop3A_260 = arith.constant 80 : index
      %parallel_loop3A_261 = tpu.vector_load %arg11[%parallel_loop3A_259, %parallel_loop3A_260] {strides = array<i32>} : memref<256x128xf32, #tpu.memory_space<vmem>>, vector<16xf32>,
      tpu.vector_store %arg11[%parallel_loop3A_259, %parallel_loop3A_260], %parallel_loop3A_258 {add = true, strides = array<i32>} : memref<256x128xf32, #tpu.memory_space<vmem>>, vector<16xf32>,
      %parallel_loop3A_262 = tpu.vector_load_idx %arg10[%parallel_loop3A_213, %add3A_68] : memref<3x128xf32, #tpu.memory_space<vmem>>[vector<16xi32>, vector<16xi32>], vector<16xf32>,
      %parallel_loop3A_263 = arith.index_cast %parallel_loop3A_208 : i32 to index
      %parallel_loop3A_264 = arith.constant 96 : index
      %parallel_loop3A_265 = tpu.vector_load %arg12[%parallel_loop3A_263, %parallel_loop3A_264] {strides = array<i32>} : memref<256x128xf32, #tpu.memory_space<vmem>>, vector<16xf32>,
      %parallel_loop3A_266 = arith.addf %parallel_loop3A_265, %parallel_loop3A_262 : vector<16xf32>
      %parallel_loop3A_267 = arith.index_cast %parallel_loop3A_208 : i32 to index
      %parallel_loop3A_268 = arith.constant 96 : index
      %parallel_loop3A_269 = tpu.vector_load %arg11[%parallel_loop3A_267, %parallel_loop3A_268] {strides = array<i32>} : memref<256x128xf32, #tpu.memory_space<vmem>>, vector<16xf32>,
      tpu.vector_store %arg11[%parallel_loop3A_267, %parallel_loop3A_268], %parallel_loop3A_266 {add = true, strides = array<i32>} : memref<256x128xf32, #tpu.memory_space<vmem>>, vector<16xf32>,
      %parallel_loop3A_270 = tpu.vector_load_idx %arg10[%parallel_loop3A_213, %add3A_72] : memref<3x128xf32, #tpu.memory_space<vmem>>[vector<16xi32>, vector<16xi32>], vector<16xf32>,
      %parallel_loop3A_271 = arith.index_cast %parallel_loop3A_208 : i32 to index
      %parallel_loop3A_272 = arith.constant 112 : index
      %parallel_loop3A_273 = tpu.vector_load %arg12[%parallel_loop3A_271, %parallel_loop3A_272] {strides = array<i32>} : memref<256x128xf32, #tpu.memory_space<vmem>>, vector<16xf32>,
      %parallel_loop3A_274 = arith.addf %parallel_loop3A_273, %parallel_loop3A_270 : vector<16xf32>
      %parallel_loop3A_275 = arith.index_cast %parallel_loop3A_208 : i32 to index
      %parallel_loop3A_276 = arith.constant 112 : index
      %parallel_loop3A_277 = tpu.vector_load %arg11[%parallel_loop3A_275, %parallel_loop3A_276] {strides = array<i32>} : memref<256x128xf32, #tpu.memory_space<vmem>>, vector<16xf32>,
      tpu.vector_store %arg11[%parallel_loop3A_275, %parallel_loop3A_276], %parallel_loop3A_274 {add = true, strides = array<i32>} : memref<256x128xf32, #tpu.memory_space<vmem>>, vector<16xf32>,
    } {sc.loop_unroll_factor = 4 : i64, sc.parallel_access}
    %add3A_105 = arith.constant 0 : i32
    %add3A_106 = arith.addi %mul3A_2, %add3A_105 : i32
    %add3A_107 = arith.constant 64 : i32
    %add3A_108 = arith.addi %add3A_106, %add3A_107 : i32
    %dma_start3A_109 = arith.constant 64 : i32
    %dma_start3A_110 = arith.constant 0 : i32
    %dma_start3A_111 = tpu.memref_slice %arg11[%dma_start3A_109, %dma_start3A_110] : memref<256x128xf32, #tpu.memory_space<vmem>> -> memref<64x128xf32, #tpu.memory_space<vmem>>
    %dma_start3A_112 = arith.constant 0 : i32
    %dma_start3A_113 = tpu.memref_slice %arg7[%add3A_108, %dma_start3A_112] : memref<8192x128xf32, #tpu.memory_space<hbm>> -> memref<64x128xf32, #tpu.memory_space<hbm>>
    %dma_start3A_114 = arith.constant 0 : i32
    %dma_start3A_115 = tpu.memref_slice %arg7[%add3A_108, %dma_start3A_114] : memref<8192x128xf32, #tpu.memory_space<hbm>> -> memref<64x128xf32, #tpu.memory_space<hbm>>
    %dma_start3A_116 = arith.constant 64 : i32
    %dma_start3A_117 = arith.constant 0 : i32
    %dma_start3A_118 = tpu.memref_slice %arg11[%dma_start3A_116, %dma_start3A_117] : memref<256x128xf32, #tpu.memory_space<vmem>> -> memref<64x128xf32, #tpu.memory_space<vmem>>
    tpu.enqueue_dma source(%dma_start3A_118 : memref<64x128xf32, #tpu.memory_space<vmem>>) target(%dma_start3A_115 : memref<64x128xf32, #tpu.memory_space<hbm>>) target_semaphore(%arg15 : memref<!tpu.dma_semaphore, #tpu.memory_space<semaphore_mem>>)
    %dma_wait3A_119 = arith.constant 1 : i32
    %dma_wait3A_120 = arith.constant 1 : i32
    %dma_wait3A_121 = arith.constant 128 : i32
    %dma_wait3A_122 = arith.constant 0 : i32
    %dma_wait3A_123 = tpu.memref_slice %arg11[%dma_wait3A_121, %dma_wait3A_122] : memref<256x128xf32, #tpu.memory_space<vmem>> -> memref<128x128xf32, #tpu.memory_space<vmem>>
    %dma_wait3A_124 = arith.constant 0 : i32
    %dma_wait3A_125 = tpu.memref_slice %arg8[%dma_wait3A_119, %dma_wait3A_124] : memref<2x128xi32, #tpu.memory_space<vmem>> -> memref<1x128xi32, #tpu.memory_space<vmem>>
    %dma_wait3A_126 = tpu.memref_squeeze %dma_wait3A_125 : memref<1x128xi32, #tpu.memory_space<vmem>> -> memref<128xi32, #tpu.memory_space<vmem>>
    %dma_wait3A_127 = arith.constant 0 : i32
    %dma_wait3A_128 = arith.constant 0 : i32
    %dma_wait3A_129 = tpu.memref_slice %arg4[%dma_wait3A_127, %dma_wait3A_128] : memref<100000x128xf32, #tpu.memory_space<hbm>> -> memref<100000x128xf32, #tpu.memory_space<hbm>>
    %dma_wait3A_130 = tpu.memref_slice %arg13[%dma_wait3A_120] : memref<2x!tpu.dma_semaphore, #tpu.memory_space<semaphore_mem>> -> memref<1x!tpu.dma_semaphore, #tpu.memory_space<semaphore_mem>>
    %dma_wait3A_131 = tpu.memref_squeeze %dma_wait3A_130 : memref<1x!tpu.dma_semaphore, #tpu.memory_space<semaphore_mem>> -> memref<!tpu.dma_semaphore, #tpu.memory_space<semaphore_mem>>
    tpu.wait_indirect_dma semaphore(%dma_wait3A_131 : memref<!tpu.dma_semaphore, #tpu.memory_space<semaphore_mem>>) src(%dma_wait3A_129 : memref<100000x128xf32, #tpu.memory_space<hbm>>) dst(%dma_wait3A_123 : memref<128x128xf32, #tpu.memory_space<vmem>>)
    %parallel_loop3A_132 = arith.constant 0 : i32
    %parallel_loop3A_133 = arith.constant 64 : i32
    %parallel_loop3A_134 = arith.constant 1 : i32
    scf.for %parallel_loop3A_206 = %parallel_loop3A_132 to %parallel_loop3A_133 step %parallel_loop3A_134  : i32 {
      %parallel_loop3A_207 = arith.constant 128 : i32
      %parallel_loop3A_208 = arith.addi %parallel_loop3A_207, %parallel_loop3A_206 : i32
      %parallel_loop3A_209 = arith.constant 0 : i32
      %parallel_loop3A_210 = vector.broadcast %parallel_loop3A_209 : i32 to vector<16xi32>
      %parallel_loop3A_211 = vector.broadcast %parallel_loop3A_208 : i32 to vector<16xi32>
      %parallel_loop3A_212 = arith.addi %parallel_loop3A_210, %parallel_loop3A_211 : vector<16xi32>
      %parallel_loop3A_213 = tpu.vector_load_idx %arg9[%parallel_loop3A_212] : memref<256xi32, #tpu.memory_space<vmem>>[vector<16xi32>], vector<16xi32>,
      %parallel_loop3A_214 = tpu.vector_load_idx %arg10[%parallel_loop3A_213, %add3A_44] : memref<3x128xf32, #tpu.memory_space<vmem>>[vector<16xi32>, vector<16xi32>], vector<16xf32>,
      %parallel_loop3A_215 = arith.index_cast %parallel_loop3A_208 : i32 to index
      %parallel_loop3A_216 = arith.constant 0 : index
      %parallel_loop3A_217 = tpu.vector_load %arg12[%parallel_loop3A_215, %parallel_loop3A_216] {strides = array<i32>} : memref<256x128xf32, #tpu.memory_space<vmem>>, vector<16xf32>,
      %parallel_loop3A_218 = arith.addf %parallel_loop3A_217, %parallel_loop3A_214 : vector<16xf32>
      %parallel_loop3A_219 = arith.index_cast %parallel_loop3A_208 : i32 to index
      %parallel_loop3A_220 = arith.constant 0 : index
      %parallel_loop3A_221 = tpu.vector_load %arg11[%parallel_loop3A_219, %parallel_loop3A_220] {strides = array<i32>} : memref<256x128xf32, #tpu.memory_space<vmem>>, vector<16xf32>,
      tpu.vector_store %arg11[%parallel_loop3A_219, %parallel_loop3A_220], %parallel_loop3A_218 {add = true, strides = array<i32>} : memref<256x128xf32, #tpu.memory_space<vmem>>, vector<16xf32>,
      %parallel_loop3A_222 = tpu.vector_load_idx %arg10[%parallel_loop3A_213, %add3A_48] : memref<3x128xf32, #tpu.memory_space<vmem>>[vector<16xi32>, vector<16xi32>], vector<16xf32>,
      %parallel_loop3A_223 = arith.index_cast %parallel_loop3A_208 : i32 to index
      %parallel_loop3A_224 = arith.constant 16 : index
      %parallel_loop3A_225 = tpu.vector_load %arg12[%parallel_loop3A_223, %parallel_loop3A_224] {strides = array<i32>} : memref<256x128xf32, #tpu.memory_space<vmem>>, vector<16xf32>,
      %parallel_loop3A_226 = arith.addf %parallel_loop3A_225, %parallel_loop3A_222 : vector<16xf32>
      %parallel_loop3A_227 = arith.index_cast %parallel_loop3A_208 : i32 to index
      %parallel_loop3A_228 = arith.constant 16 : index
      %parallel_loop3A_229 = tpu.vector_load %arg11[%parallel_loop3A_227, %parallel_loop3A_228] {strides = array<i32>} : memref<256x128xf32, #tpu.memory_space<vmem>>, vector<16xf32>,
      tpu.vector_store %arg11[%parallel_loop3A_227, %parallel_loop3A_228], %parallel_loop3A_226 {add = true, strides = array<i32>} : memref<256x128xf32, #tpu.memory_space<vmem>>, vector<16xf32>,
      %parallel_loop3A_230 = tpu.vector_load_idx %arg10[%parallel_loop3A_213, %add3A_52] : memref<3x128xf32, #tpu.memory_space<vmem>>[vector<16xi32>, vector<16xi32>], vector<16xf32>,
      %parallel_loop3A_231 = arith.index_cast %parallel_loop3A_208 : i32 to index
      %parallel_loop3A_232 = arith.constant 32 : index
      %parallel_loop3A_233 = tpu.vector_load %arg12[%parallel_loop3A_231, %parallel_loop3A_232] {strides = array<i32>} : memref<256x128xf32, #tpu.memory_space<vmem>>, vector<16xf32>,
      %parallel_loop3A_234 = arith.addf %parallel_loop3A_233, %parallel_loop3A_230 : vector<16xf32>
      %parallel_loop3A_235 = arith.index_cast %parallel_loop3A_208 : i32 to index
      %parallel_loop3A_236 = arith.constant 32 : index
      %parallel_loop3A_237 = tpu.vector_load %arg11[%parallel_loop3A_235, %parallel_loop3A_236] {strides = array<i32>} : memref<256x128xf32, #tpu.memory_space<vmem>>, vector<16xf32>,
      tpu.vector_store %arg11[%parallel_loop3A_235, %parallel_loop3A_236], %parallel_loop3A_234 {add = true, strides = array<i32>} : memref<256x128xf32, #tpu.memory_space<vmem>>, vector<16xf32>,
      %parallel_loop3A_238 = tpu.vector_load_idx %arg10[%parallel_loop3A_213, %add3A_56] : memref<3x128xf32, #tpu.memory_space<vmem>>[vector<16xi32>, vector<16xi32>], vector<16xf32>,
      %parallel_loop3A_239 = arith.index_cast %parallel_loop3A_208 : i32 to index
      %parallel_loop3A_240 = arith.constant 48 : index
      %parallel_loop3A_241 = tpu.vector_load %arg12[%parallel_loop3A_239, %parallel_loop3A_240] {strides = array<i32>} : memref<256x128xf32, #tpu.memory_space<vmem>>, vector<16xf32>,
      %parallel_loop3A_242 = arith.addf %parallel_loop3A_241, %parallel_loop3A_238 : vector<16xf32>
      %parallel_loop3A_243 = arith.index_cast %parallel_loop3A_208 : i32 to index
      %parallel_loop3A_244 = arith.constant 48 : index
      %parallel_loop3A_245 = tpu.vector_load %arg11[%parallel_loop3A_243, %parallel_loop3A_244] {strides = array<i32>} : memref<256x128xf32, #tpu.memory_space<vmem>>, vector<16xf32>,
      tpu.vector_store %arg11[%parallel_loop3A_243, %parallel_loop3A_244], %parallel_loop3A_242 {add = true, strides = array<i32>} : memref<256x128xf32, #tpu.memory_space<vmem>>, vector<16xf32>,
      %parallel_loop3A_246 = tpu.vector_load_idx %arg10[%parallel_loop3A_213, %add3A_60] : memref<3x128xf32, #tpu.memory_space<vmem>>[vector<16xi32>, vector<16xi32>], vector<16xf32>,
      %parallel_loop3A_247 = arith.index_cast %parallel_loop3A_208 : i32 to index
      %parallel_loop3A_248 = arith.constant 64 : index
      %parallel_loop3A_249 = tpu.vector_load %arg12[%parallel_loop3A_247, %parallel_loop3A_248] {strides = array<i32>} : memref<256x128xf32, #tpu.memory_space<vmem>>, vector<16xf32>,
      %parallel_loop3A_250 = arith.addf %parallel_loop3A_249, %parallel_loop3A_246 : vector<16xf32>
      %parallel_loop3A_251 = arith.index_cast %parallel_loop3A_208 : i32 to index
      %parallel_loop3A_252 = arith.constant 64 : index
      %parallel_loop3A_253 = tpu.vector_load %arg11[%parallel_loop3A_251, %parallel_loop3A_252] {strides = array<i32>} : memref<256x128xf32, #tpu.memory_space<vmem>>, vector<16xf32>,
      tpu.vector_store %arg11[%parallel_loop3A_251, %parallel_loop3A_252], %parallel_loop3A_250 {add = true, strides = array<i32>} : memref<256x128xf32, #tpu.memory_space<vmem>>, vector<16xf32>,
      %parallel_loop3A_254 = tpu.vector_load_idx %arg10[%parallel_loop3A_213, %add3A_64] : memref<3x128xf32, #tpu.memory_space<vmem>>[vector<16xi32>, vector<16xi32>], vector<16xf32>,
      %parallel_loop3A_255 = arith.index_cast %parallel_loop3A_208 : i32 to index
      %parallel_loop3A_256 = arith.constant 80 : index
      %parallel_loop3A_257 = tpu.vector_load %arg12[%parallel_loop3A_255, %parallel_loop3A_256] {strides = array<i32>} : memref<256x128xf32, #tpu.memory_space<vmem>>, vector<16xf32>,
      %parallel_loop3A_258 = arith.addf %parallel_loop3A_257, %parallel_loop3A_254 : vector<16xf32>
      %parallel_loop3A_259 = arith.index_cast %parallel_loop3A_208 : i32 to index
      %parallel_loop3A_260 = arith.constant 80 : index
      %parallel_loop3A_261 = tpu.vector_load %arg11[%parallel_loop3A_259, %parallel_loop3A_260] {strides = array<i32>} : memref<256x128xf32, #tpu.memory_space<vmem>>, vector<16xf32>,
      tpu.vector_store %arg11[%parallel_loop3A_259, %parallel_loop3A_260], %parallel_loop3A_258 {add = true, strides = array<i32>} : memref<256x128xf32, #tpu.memory_space<vmem>>, vector<16xf32>,
      %parallel_loop3A_262 = tpu.vector_load_idx %arg10[%parallel_loop3A_213, %add3A_68] : memref<3x128xf32, #tpu.memory_space<vmem>>[vector<16xi32>, vector<16xi32>], vector<16xf32>,
      %parallel_loop3A_263 = arith.index_cast %parallel_loop3A_208 : i32 to index
      %parallel_loop3A_264 = arith.constant 96 : index
      %parallel_loop3A_265 = tpu.vector_load %arg12[%parallel_loop3A_263, %parallel_loop3A_264] {strides = array<i32>} : memref<256x128xf32, #tpu.memory_space<vmem>>, vector<16xf32>,
      %parallel_loop3A_266 = arith.addf %parallel_loop3A_265, %parallel_loop3A_262 : vector<16xf32>
      %parallel_loop3A_267 = arith.index_cast %parallel_loop3A_208 : i32 to index
      %parallel_loop3A_268 = arith.constant 96 : index
      %parallel_loop3A_269 = tpu.vector_load %arg11[%parallel_loop3A_267, %parallel_loop3A_268] {strides = array<i32>} : memref<256x128xf32, #tpu.memory_space<vmem>>, vector<16xf32>,
      tpu.vector_store %arg11[%parallel_loop3A_267, %parallel_loop3A_268], %parallel_loop3A_266 {add = true, strides = array<i32>} : memref<256x128xf32, #tpu.memory_space<vmem>>, vector<16xf32>,
      %parallel_loop3A_270 = tpu.vector_load_idx %arg10[%parallel_loop3A_213, %add3A_72] : memref<3x128xf32, #tpu.memory_space<vmem>>[vector<16xi32>, vector<16xi32>], vector<16xf32>,
      %parallel_loop3A_271 = arith.index_cast %parallel_loop3A_208 : i32 to index
      %parallel_loop3A_272 = arith.constant 112 : index
      %parallel_loop3A_273 = tpu.vector_load %arg12[%parallel_loop3A_271, %parallel_loop3A_272] {strides = array<i32>} : memref<256x128xf32, #tpu.memory_space<vmem>>, vector<16xf32>,
      %parallel_loop3A_274 = arith.addf %parallel_loop3A_273, %parallel_loop3A_270 : vector<16xf32>
      %parallel_loop3A_275 = arith.index_cast %parallel_loop3A_208 : i32 to index
      %parallel_loop3A_276 = arith.constant 112 : index
      %parallel_loop3A_277 = tpu.vector_load %arg11[%parallel_loop3A_275, %parallel_loop3A_276] {strides = array<i32>} : memref<256x128xf32, #tpu.memory_space<vmem>>, vector<16xf32>,
      tpu.vector_store %arg11[%parallel_loop3A_275, %parallel_loop3A_276], %parallel_loop3A_274 {add = true, strides = array<i32>} : memref<256x128xf32, #tpu.memory_space<vmem>>, vector<16xf32>,
    } {sc.loop_unroll_factor = 4 : i64, sc.parallel_access}
    %add3A_135 = arith.constant 128 : i32
    %add3A_136 = arith.addi %mul3A_2, %add3A_135 : i32
    %add3A_137 = arith.constant 0 : i32
    %add3A_138 = arith.addi %add3A_136, %add3A_137 : i32
    %dma_start3A_139 = arith.constant 128 : i32
    %dma_start3A_140 = arith.constant 0 : i32
    %dma_start3A_141 = tpu.memref_slice %arg11[%dma_start3A_139, %dma_start3A_140] : memref<256x128xf32, #tpu.memory_space<vmem>> -> memref<64x128xf32, #tpu.memory_space<vmem>>
    %dma_start3A_142 = arith.constant 0 : i32
    %dma_start3A_143 = tpu.memref_slice %arg7[%add3A_138, %dma_start3A_142] : memref<8192x128xf32, #tpu.memory_space<hbm>> -> memref<64x128xf32, #tpu.memory_space<hbm>>
    %dma_start3A_144 = arith.constant 0 : i32
    %dma_start3A_145 = tpu.memref_slice %arg7[%add3A_138, %dma_start3A_144] : memref<8192x128xf32, #tpu.memory_space<hbm>> -> memref<64x128xf32, #tpu.memory_space<hbm>>
    %dma_start3A_146 = arith.constant 128 : i32
    %dma_start3A_147 = arith.constant 0 : i32
    %dma_start3A_148 = tpu.memref_slice %arg11[%dma_start3A_146, %dma_start3A_147] : memref<256x128xf32, #tpu.memory_space<vmem>> -> memref<64x128xf32, #tpu.memory_space<vmem>>
    tpu.enqueue_dma source(%dma_start3A_148 : memref<64x128xf32, #tpu.memory_space<vmem>>) target(%dma_start3A_145 : memref<64x128xf32, #tpu.memory_space<hbm>>) target_semaphore(%arg15 : memref<!tpu.dma_semaphore, #tpu.memory_space<semaphore_mem>>)
    %parallel_loop3A_149 = arith.constant 0 : i32
    %parallel_loop3A_150 = arith.constant 64 : i32
    %parallel_loop3A_151 = arith.constant 1 : i32
    scf.for %parallel_loop3A_206 = %parallel_loop3A_149 to %parallel_loop3A_150 step %parallel_loop3A_151  : i32 {
      %parallel_loop3A_207 = arith.constant 192 : i32
      %parallel_loop3A_208 = arith.addi %parallel_loop3A_207, %parallel_loop3A_206 : i32
      %parallel_loop3A_209 = arith.constant 0 : i32
      %parallel_loop3A_210 = vector.broadcast %parallel_loop3A_209 : i32 to vector<16xi32>
      %parallel_loop3A_211 = vector.broadcast %parallel_loop3A_208 : i32 to vector<16xi32>
      %parallel_loop3A_212 = arith.addi %parallel_loop3A_210, %parallel_loop3A_211 : vector<16xi32>
      %parallel_loop3A_213 = tpu.vector_load_idx %arg9[%parallel_loop3A_212] : memref<256xi32, #tpu.memory_space<vmem>>[vector<16xi32>], vector<16xi32>,
      %parallel_loop3A_214 = tpu.vector_load_idx %arg10[%parallel_loop3A_213, %add3A_44] : memref<3x128xf32, #tpu.memory_space<vmem>>[vector<16xi32>, vector<16xi32>], vector<16xf32>,
      %parallel_loop3A_215 = arith.index_cast %parallel_loop3A_208 : i32 to index
      %parallel_loop3A_216 = arith.constant 0 : index
      %parallel_loop3A_217 = tpu.vector_load %arg12[%parallel_loop3A_215, %parallel_loop3A_216] {strides = array<i32>} : memref<256x128xf32, #tpu.memory_space<vmem>>, vector<16xf32>,
      %parallel_loop3A_218 = arith.addf %parallel_loop3A_217, %parallel_loop3A_214 : vector<16xf32>
      %parallel_loop3A_219 = arith.index_cast %parallel_loop3A_208 : i32 to index
      %parallel_loop3A_220 = arith.constant 0 : index
      %parallel_loop3A_221 = tpu.vector_load %arg11[%parallel_loop3A_219, %parallel_loop3A_220] {strides = array<i32>} : memref<256x128xf32, #tpu.memory_space<vmem>>, vector<16xf32>,
      tpu.vector_store %arg11[%parallel_loop3A_219, %parallel_loop3A_220], %parallel_loop3A_218 {add = true, strides = array<i32>} : memref<256x128xf32, #tpu.memory_space<vmem>>, vector<16xf32>,
      %parallel_loop3A_222 = tpu.vector_load_idx %arg10[%parallel_loop3A_213, %add3A_48] : memref<3x128xf32, #tpu.memory_space<vmem>>[vector<16xi32>, vector<16xi32>], vector<16xf32>,
      %parallel_loop3A_223 = arith.index_cast %parallel_loop3A_208 : i32 to index
      %parallel_loop3A_224 = arith.constant 16 : index
      %parallel_loop3A_225 = tpu.vector_load %arg12[%parallel_loop3A_223, %parallel_loop3A_224] {strides = array<i32>} : memref<256x128xf32, #tpu.memory_space<vmem>>, vector<16xf32>,
      %parallel_loop3A_226 = arith.addf %parallel_loop3A_225, %parallel_loop3A_222 : vector<16xf32>
      %parallel_loop3A_227 = arith.index_cast %parallel_loop3A_208 : i32 to index
      %parallel_loop3A_228 = arith.constant 16 : index
      %parallel_loop3A_229 = tpu.vector_load %arg11[%parallel_loop3A_227, %parallel_loop3A_228] {strides = array<i32>} : memref<256x128xf32, #tpu.memory_space<vmem>>, vector<16xf32>,
      tpu.vector_store %arg11[%parallel_loop3A_227, %parallel_loop3A_228], %parallel_loop3A_226 {add = true, strides = array<i32>} : memref<256x128xf32, #tpu.memory_space<vmem>>, vector<16xf32>,
      %parallel_loop3A_230 = tpu.vector_load_idx %arg10[%parallel_loop3A_213, %add3A_52] : memref<3x128xf32, #tpu.memory_space<vmem>>[vector<16xi32>, vector<16xi32>], vector<16xf32>,
      %parallel_loop3A_231 = arith.index_cast %parallel_loop3A_208 : i32 to index
      %parallel_loop3A_232 = arith.constant 32 : index
      %parallel_loop3A_233 = tpu.vector_load %arg12[%parallel_loop3A_231, %parallel_loop3A_232] {strides = array<i32>} : memref<256x128xf32, #tpu.memory_space<vmem>>, vector<16xf32>,
      %parallel_loop3A_234 = arith.addf %parallel_loop3A_233, %parallel_loop3A_230 : vector<16xf32>
      %parallel_loop3A_235 = arith.index_cast %parallel_loop3A_208 : i32 to index
      %parallel_loop3A_236 = arith.constant 32 : index
      %parallel_loop3A_237 = tpu.vector_load %arg11[%parallel_loop3A_235, %parallel_loop3A_236] {strides = array<i32>} : memref<256x128xf32, #tpu.memory_space<vmem>>, vector<16xf32>,
      tpu.vector_store %arg11[%parallel_loop3A_235, %parallel_loop3A_236], %parallel_loop3A_234 {add = true, strides = array<i32>} : memref<256x128xf32, #tpu.memory_space<vmem>>, vector<16xf32>,
      %parallel_loop3A_238 = tpu.vector_load_idx %arg10[%parallel_loop3A_213, %add3A_56] : memref<3x128xf32, #tpu.memory_space<vmem>>[vector<16xi32>, vector<16xi32>], vector<16xf32>,
      %parallel_loop3A_239 = arith.index_cast %parallel_loop3A_208 : i32 to index
      %parallel_loop3A_240 = arith.constant 48 : index
      %parallel_loop3A_241 = tpu.vector_load %arg12[%parallel_loop3A_239, %parallel_loop3A_240] {strides = array<i32>} : memref<256x128xf32, #tpu.memory_space<vmem>>, vector<16xf32>,
      %parallel_loop3A_242 = arith.addf %parallel_loop3A_241, %parallel_loop3A_238 : vector<16xf32>
      %parallel_loop3A_243 = arith.index_cast %parallel_loop3A_208 : i32 to index
      %parallel_loop3A_244 = arith.constant 48 : index
      %parallel_loop3A_245 = tpu.vector_load %arg11[%parallel_loop3A_243, %parallel_loop3A_244] {strides = array<i32>} : memref<256x128xf32, #tpu.memory_space<vmem>>, vector<16xf32>,
      tpu.vector_store %arg11[%parallel_loop3A_243, %parallel_loop3A_244], %parallel_loop3A_242 {add = true, strides = array<i32>} : memref<256x128xf32, #tpu.memory_space<vmem>>, vector<16xf32>,
      %parallel_loop3A_246 = tpu.vector_load_idx %arg10[%parallel_loop3A_213, %add3A_60] : memref<3x128xf32, #tpu.memory_space<vmem>>[vector<16xi32>, vector<16xi32>], vector<16xf32>,
      %parallel_loop3A_247 = arith.index_cast %parallel_loop3A_208 : i32 to index
      %parallel_loop3A_248 = arith.constant 64 : index
      %parallel_loop3A_249 = tpu.vector_load %arg12[%parallel_loop3A_247, %parallel_loop3A_248] {strides = array<i32>} : memref<256x128xf32, #tpu.memory_space<vmem>>, vector<16xf32>,
      %parallel_loop3A_250 = arith.addf %parallel_loop3A_249, %parallel_loop3A_246 : vector<16xf32>
      %parallel_loop3A_251 = arith.index_cast %parallel_loop3A_208 : i32 to index
      %parallel_loop3A_252 = arith.constant 64 : index
      %parallel_loop3A_253 = tpu.vector_load %arg11[%parallel_loop3A_251, %parallel_loop3A_252] {strides = array<i32>} : memref<256x128xf32, #tpu.memory_space<vmem>>, vector<16xf32>,
      tpu.vector_store %arg11[%parallel_loop3A_251, %parallel_loop3A_252], %parallel_loop3A_250 {add = true, strides = array<i32>} : memref<256x128xf32, #tpu.memory_space<vmem>>, vector<16xf32>,
      %parallel_loop3A_254 = tpu.vector_load_idx %arg10[%parallel_loop3A_213, %add3A_64] : memref<3x128xf32, #tpu.memory_space<vmem>>[vector<16xi32>, vector<16xi32>], vector<16xf32>,
      %parallel_loop3A_255 = arith.index_cast %parallel_loop3A_208 : i32 to index
      %parallel_loop3A_256 = arith.constant 80 : index
      %parallel_loop3A_257 = tpu.vector_load %arg12[%parallel_loop3A_255, %parallel_loop3A_256] {strides = array<i32>} : memref<256x128xf32, #tpu.memory_space<vmem>>, vector<16xf32>,
      %parallel_loop3A_258 = arith.addf %parallel_loop3A_257, %parallel_loop3A_254 : vector<16xf32>
      %parallel_loop3A_259 = arith.index_cast %parallel_loop3A_208 : i32 to index
      %parallel_loop3A_260 = arith.constant 80 : index
      %parallel_loop3A_261 = tpu.vector_load %arg11[%parallel_loop3A_259, %parallel_loop3A_260] {strides = array<i32>} : memref<256x128xf32, #tpu.memory_space<vmem>>, vector<16xf32>,
      tpu.vector_store %arg11[%parallel_loop3A_259, %parallel_loop3A_260], %parallel_loop3A_258 {add = true, strides = array<i32>} : memref<256x128xf32, #tpu.memory_space<vmem>>, vector<16xf32>,
      %parallel_loop3A_262 = tpu.vector_load_idx %arg10[%parallel_loop3A_213, %add3A_68] : memref<3x128xf32, #tpu.memory_space<vmem>>[vector<16xi32>, vector<16xi32>], vector<16xf32>,
      %parallel_loop3A_263 = arith.index_cast %parallel_loop3A_208 : i32 to index
      %parallel_loop3A_264 = arith.constant 96 : index
      %parallel_loop3A_265 = tpu.vector_load %arg12[%parallel_loop3A_263, %parallel_loop3A_264] {strides = array<i32>} : memref<256x128xf32, #tpu.memory_space<vmem>>, vector<16xf32>,
      %parallel_loop3A_266 = arith.addf %parallel_loop3A_265, %parallel_loop3A_262 : vector<16xf32>
      %parallel_loop3A_267 = arith.index_cast %parallel_loop3A_208 : i32 to index
      %parallel_loop3A_268 = arith.constant 96 : index
      %parallel_loop3A_269 = tpu.vector_load %arg11[%parallel_loop3A_267, %parallel_loop3A_268] {strides = array<i32>} : memref<256x128xf32, #tpu.memory_space<vmem>>, vector<16xf32>,
      tpu.vector_store %arg11[%parallel_loop3A_267, %parallel_loop3A_268], %parallel_loop3A_266 {add = true, strides = array<i32>} : memref<256x128xf32, #tpu.memory_space<vmem>>, vector<16xf32>,
      %parallel_loop3A_270 = tpu.vector_load_idx %arg10[%parallel_loop3A_213, %add3A_72] : memref<3x128xf32, #tpu.memory_space<vmem>>[vector<16xi32>, vector<16xi32>], vector<16xf32>,
      %parallel_loop3A_271 = arith.index_cast %parallel_loop3A_208 : i32 to index
      %parallel_loop3A_272 = arith.constant 112 : index
      %parallel_loop3A_273 = tpu.vector_load %arg12[%parallel_loop3A_271, %parallel_loop3A_272] {strides = array<i32>} : memref<256x128xf32, #tpu.memory_space<vmem>>, vector<16xf32>,
      %parallel_loop3A_274 = arith.addf %parallel_loop3A_273, %parallel_loop3A_270 : vector<16xf32>
      %parallel_loop3A_275 = arith.index_cast %parallel_loop3A_208 : i32 to index
      %parallel_loop3A_276 = arith.constant 112 : index
      %parallel_loop3A_277 = tpu.vector_load %arg11[%parallel_loop3A_275, %parallel_loop3A_276] {strides = array<i32>} : memref<256x128xf32, #tpu.memory_space<vmem>>, vector<16xf32>,
      tpu.vector_store %arg11[%parallel_loop3A_275, %parallel_loop3A_276], %parallel_loop3A_274 {add = true, strides = array<i32>} : memref<256x128xf32, #tpu.memory_space<vmem>>, vector<16xf32>,
    } {sc.loop_unroll_factor = 4 : i64, sc.parallel_access}
    %add3A_152 = arith.constant 128 : i32
    %add3A_153 = arith.addi %mul3A_2, %add3A_152 : i32
    %add3A_154 = arith.constant 64 : i32
    %add3A_155 = arith.addi %add3A_153, %add3A_154 : i32
    %dma_start3A_156 = arith.constant 192 : i32
    %dma_start3A_157 = arith.constant 0 : i32
    %dma_start3A_158 = tpu.memref_slice %arg11[%dma_start3A_156, %dma_start3A_157] : memref<256x128xf32, #tpu.memory_space<vmem>> -> memref<64x128xf32, #tpu.memory_space<vmem>>
    %dma_start3A_159 = arith.constant 0 : i32
    %dma_start3A_160 = tpu.memref_slice %arg7[%add3A_155, %dma_start3A_159] : memref<8192x128xf32, #tpu.memory_space<hbm>> -> memref<64x128xf32, #tpu.memory_space<hbm>>
    %dma_start3A_161 = arith.constant 0 : i32
    %dma_start3A_162 = tpu.memref_slice %arg7[%add3A_155, %dma_start3A_161] : memref<8192x128xf32, #tpu.memory_space<hbm>> -> memref<64x128xf32, #tpu.memory_space<hbm>>
    %dma_start3A_163 = arith.constant 192 : i32
    %dma_start3A_164 = arith.constant 0 : i32
    %dma_start3A_165 = tpu.memref_slice %arg11[%dma_start3A_163, %dma_start3A_164] : memref<256x128xf32, #tpu.memory_space<vmem>> -> memref<64x128xf32, #tpu.memory_space<vmem>>
    tpu.enqueue_dma source(%dma_start3A_165 : memref<64x128xf32, #tpu.memory_space<vmem>>) target(%dma_start3A_162 : memref<64x128xf32, #tpu.memory_space<hbm>>) target_semaphore(%arg15 : memref<!tpu.dma_semaphore, #tpu.memory_space<semaphore_mem>>)
    %dma_wait3A_166 = arith.constant 0 : i32
    %dma_wait3A_167 = arith.constant 0 : i32
    %dma_wait3A_168 = tpu.memref_slice %arg11[%dma_wait3A_166, %dma_wait3A_167] : memref<256x128xf32, #tpu.memory_space<vmem>> -> memref<64x128xf32, #tpu.memory_space<vmem>>
    %dma_wait3A_169 = arith.constant 0 : i32
    %dma_wait3A_170 = tpu.memref_slice %arg7[%add3A_91, %dma_wait3A_169] : memref<8192x128xf32, #tpu.memory_space<hbm>> -> memref<64x128xf32, #tpu.memory_space<hbm>>
    %dma_wait3A_171 = arith.constant 0 : i32
    %dma_wait3A_172 = tpu.memref_slice %arg7[%add3A_91, %dma_wait3A_171] : memref<8192x128xf32, #tpu.memory_space<hbm>> -> memref<64x128xf32, #tpu.memory_space<hbm>>
    %dma_wait3A_173 = arith.constant 0 : i32
    %dma_wait3A_174 = arith.constant 0 : i32
    %dma_wait3A_175 = tpu.memref_slice %arg11[%dma_wait3A_173, %dma_wait3A_174] : memref<256x128xf32, #tpu.memory_space<vmem>> -> memref<64x128xf32, #tpu.memory_space<vmem>>
    tpu.wait_dma2 semaphore(%arg15 : memref<!tpu.dma_semaphore, #tpu.memory_space<semaphore_mem>>) src(%dma_wait3A_175 : memref<64x128xf32, #tpu.memory_space<vmem>>) dst(%dma_wait3A_172 : memref<64x128xf32, #tpu.memory_space<hbm>>)
    %dma_wait3A_176 = arith.constant 64 : i32
    %dma_wait3A_177 = arith.constant 0 : i32
    %dma_wait3A_178 = tpu.memref_slice %arg11[%dma_wait3A_176, %dma_wait3A_177] : memref<256x128xf32, #tpu.memory_space<vmem>> -> memref<64x128xf32, #tpu.memory_space<vmem>>
    %dma_wait3A_179 = arith.constant 0 : i32
    %dma_wait3A_180 = tpu.memref_slice %arg7[%add3A_108, %dma_wait3A_179] : memref<8192x128xf32, #tpu.memory_space<hbm>> -> memref<64x128xf32, #tpu.memory_space<hbm>>
    %dma_wait3A_181 = arith.constant 0 : i32
    %dma_wait3A_182 = tpu.memref_slice %arg7[%add3A_108, %dma_wait3A_181] : memref<8192x128xf32, #tpu.memory_space<hbm>> -> memref<64x128xf32, #tpu.memory_space<hbm>>
    %dma_wait3A_183 = arith.constant 64 : i32
    %dma_wait3A_184 = arith.constant 0 : i32
    %dma_wait3A_185 = tpu.memref_slice %arg11[%dma_wait3A_183, %dma_wait3A_184] : memref<256x128xf32, #tpu.memory_space<vmem>> -> memref<64x128xf32, #tpu.memory_space<vmem>>
    tpu.wait_dma2 semaphore(%arg15 : memref<!tpu.dma_semaphore, #tpu.memory_space<semaphore_mem>>) src(%dma_wait3A_185 : memref<64x128xf32, #tpu.memory_space<vmem>>) dst(%dma_wait3A_182 : memref<64x128xf32, #tpu.memory_space<hbm>>)
    %dma_wait3A_186 = arith.constant 128 : i32
    %dma_wait3A_187 = arith.constant 0 : i32
    %dma_wait3A_188 = tpu.memref_slice %arg11[%dma_wait3A_186, %dma_wait3A_187] : memref<256x128xf32, #tpu.memory_space<vmem>> -> memref<64x128xf32, #tpu.memory_space<vmem>>
    %dma_wait3A_189 = arith.constant 0 : i32
    %dma_wait3A_190 = tpu.memref_slice %arg7[%add3A_138, %dma_wait3A_189] : memref<8192x128xf32, #tpu.memory_space<hbm>> -> memref<64x128xf32, #tpu.memory_space<hbm>>
    %dma_wait3A_191 = arith.constant 0 : i32
    %dma_wait3A_192 = tpu.memref_slice %arg7[%add3A_138, %dma_wait3A_191] : memref<8192x128xf32, #tpu.memory_space<hbm>> -> memref<64x128xf32, #tpu.memory_space<hbm>>
    %dma_wait3A_193 = arith.constant 128 : i32
    %dma_wait3A_194 = arith.constant 0 : i32
    %dma_wait3A_195 = tpu.memref_slice %arg11[%dma_wait3A_193, %dma_wait3A_194] : memref<256x128xf32, #tpu.memory_space<vmem>> -> memref<64x128xf32, #tpu.memory_space<vmem>>
    tpu.wait_dma2 semaphore(%arg15 : memref<!tpu.dma_semaphore, #tpu.memory_space<semaphore_mem>>) src(%dma_wait3A_195 : memref<64x128xf32, #tpu.memory_space<vmem>>) dst(%dma_wait3A_192 : memref<64x128xf32, #tpu.memory_space<hbm>>)
    %dma_wait3A_196 = arith.constant 192 : i32
    %dma_wait3A_197 = arith.constant 0 : i32
    %dma_wait3A_198 = tpu.memref_slice %arg11[%dma_wait3A_196, %dma_wait3A_197] : memref<256x128xf32, #tpu.memory_space<vmem>> -> memref<64x128xf32, #tpu.memory_space<vmem>>
    %dma_wait3A_199 = arith.constant 0 : i32
    %dma_wait3A_200 = tpu.memref_slice %arg7[%add3A_155, %dma_wait3A_199] : memref<8192x128xf32, #tpu.memory_space<hbm>> -> memref<64x128xf32, #tpu.memory_space<hbm>>
    %dma_wait3A_201 = arith.constant 0 : i32
    %dma_wait3A_202 = tpu.memref_slice %arg7[%add3A_155, %dma_wait3A_201] : memref<8192x128xf32, #tpu.memory_space<hbm>> -> memref<64x128xf32, #tpu.memory_space<hbm>>
    %dma_wait3A_203 = arith.constant 192 : i32
    %dma_wait3A_204 = arith.constant 0 : i32
    %dma_wait3A_205 = tpu.memref_slice %arg11[%dma_wait3A_203, %dma_wait3A_204] : memref<256x128xf32, #tpu.memory_space<vmem>> -> memref<64x128xf32, #tpu.memory_space<vmem>>
    tpu.wait_dma2 semaphore(%arg15 : memref<!tpu.dma_semaphore, #tpu.memory_space<semaphore_mem>>) src(%dma_wait3A_205 : memref<64x128xf32, #tpu.memory_space<vmem>>) dst(%dma_wait3A_202 : memref<64x128xf32, #tpu.memory_space<hbm>>)
    return
  }
}

</mosaic_0001>

<sc_bundles>
// kernel: kernel.3.cloned.1.call-start
scs
__scs_entry_jumppad:
0x0: {  	(pc) =	sbr.rel $0x88, $3  }
0x1: {  	(tag) =	ssettag $0x0;
	lr =	simm.s32 $0x1  }
0x2: {  	[smem:$0x3F9C] =	sst lr;
	_ =	strace $0xD0000000  }
0x3: {  	_ = 	snop  }
0x4: {  	_ = 	snop  }
0x5: {  	_ = 	snop  }
0x6: {  	_ = 	snop  }
0x7: {  	_ = 	snop  }
__scs_overlays_trampoline_lowered:
0x8: {  	[smem:$0x3FAB] =	sst s0  }
0x9: {  	[smem:$0x3FAC] =	sst s1  }
0xa: {  	[smem:$0x3FAD] =	sst s2  }
0xb: {  	[smem:$0x3FAE] =	sst s3  }
0xc: {  	[smem:$0x3FAF] =	sst s4  }
0xd: {  	[smem:$0x3FB0] =	sst s5  }
0xe: {  	[smem:$0x3FB1] =	sst s6  }
0xf: {  	[smem:$0x3FB2] =	sst s7  }
0x10: {  	[smem:$0x3FB3] =	sst s8  }
0x11: {  	[smem:$0x3FB4] =	sst s9;
	s0 =	simm.s32 @!p0 $0x0  }
0x12: {  	s1 =	sld [smem:$0x3F9A];
	s0 =	simm.s32 @p0 $0x1  }
0x13: {  	[smem:$0x3FB5] =	sst s0;
	s0 =	simm.s32 @!p1 $0x0  }
0x14: {  	s2 =	sld [smem:$0x3F99];
	s0 =	simm.s32 @p1 $0x1  }
0x15: {  	[smem:$0x3FB6] =	sst s0;
	s0 =	simm.s32 @!p2 $0x0  }
0x16: {  	s3 =	sld [smem:$0x3FDB];
	s0 =	simm.s32 @p2 $0x1  }
0x17: {  	s4 =	simm.s32 $0x1BF5;
	[smem:$0x3FB8] =	sst s0  }
0x18: {  	s0 =	sld [smem:$0x3F9B];
	_ =	swait.ge [sflag:s4], $0x0  }
0x19: {  	s7 =	sld [smem:$0x3F9C]  }
0x1a: {  	s8 =	sadd.s32 $0xFFFFE003, lr  }
0x1b: {  	s9 =	sadd.s32 $0xFFFFFEF7, lr;
	s5 =	simm.s32 $0xFFFFFFFF;
	p2 =	slt.u32 s8, $0xFFFFF086  }
0x1c: {  	p1 =	slt.u32 s9, $0xF7A;
	s5 =	simm.s32 @!p2 $0x0  }
0x1d: {  	s5 =	simm.s32 @p1 $0x1;
	p0 =	seq.s32 s7, s2  }
0x1e: {  	s7 =	smul.u32 @!p0 $0xF7A, s2;
	p2 =	seq.s32 @!p0 s5, $0x0  }
0x1f: {  	s9 =	smul.u32 $0xF7A, s1;
	s8 =	simm.s32 @!p0 $0x1BF5;
	p2 =	por !p2, p0  }
0x20: {  	[sflag:s8] =	ssyncset.s32 @!p0 $0xFFFFF086;
	s6 =	sadd.s32 @!p0 s3, s7;
	s7 =	simm.s32 @!p0 $0x108  }
0x21: {  	s3 =	sadd.s32 s3, s9;
	s6 =	sadd.s32 @!p0 $0x88, s6;
	s7 =	simm.s32 @p2 $0x1082  }
0x22: {  	[simem:s7], [sflag:s8] =	dma.local @!p0 [hbm:s6], $0xF7A  }
0x23: {  	s9 =	sor.u32 $0xD0000000, s2;
	s6 =	simm.s32 $0x108;
	_ =	swait.ge @!p0 [sflag:s8], $0x0  }
0x24: {  	s3 =	sadd.s32 $0x88, s3;
	s6 =	simm.s32 @!p1 $0x1082;
	[sflag:s4] =	ssyncset.s32 $0xFFFFF086  }
0x25: {  	[simem:s6], [sflag:s4] =	dma.local [hbm:s3], $0xF7A  }
0x26: {  	[smem:$0x3F9C] =	sst s1;
	(tag) =	ssettag s2;
	_ =	strace s9  }
0x27: {  	s1 =	sld [smem:$0x3FAC]  }
0x28: {  	s2 =	sld [smem:$0x3FAD]  }
0x29: {  	s4 =	sld [smem:$0x3FAF]  }
0x2a: {  	p0 =	seq.s32 s5, $0x0;
	s5 =	sld [smem:$0x3FB0]  }
0x2b: {  	s6 =	sld [smem:$0x3FB1]  }
0x2c: {  	s7 =	sld [smem:$0x3FB2]  }
0x2d: {  	s3 =	simm.s32 $0x108;
	s8 =	sld [smem:$0x3FB3]  }
0x2e: {  	s3 =	simm.s32 @!p0 $0x1082;
	s9 =	sld [smem:$0x3FB4]  }
0x2f: {  	lr =	sadd.s32 s0, s3;
	s0 =	sld [smem:$0x3FAB]  }
0x30: {  	s3 =	sld [smem:$0x3FAE]  }
0x31: {  	[smem:$0x3FB7] =	sst s10  }
0x32: {  	s10 =	sld [smem:$0x3FB5];
	_ =	sdelay $0x3  }
0x33: {  	p0 =	seq.s32 s10, $0x1;
	s10 =	sld [smem:$0x3FB7];
	_ =	sdelay $0x3  }
0x34: {  	[smem:$0x3FB7] =	sst s10  }
0x35: {  	s10 =	sld [smem:$0x3FB6];
	_ =	sdelay $0x3  }
0x36: {  	p1 =	seq.s32 s10, $0x1;
	s10 =	sld [smem:$0x3FB7];
	_ =	sdelay $0x3  }
0x37: {  	[smem:$0x3FB7] =	sst s10  }
0x38: {  	s10 =	sld [smem:$0x3FB8]  }
0x39: {  	_ = 	snop;
	(pc) =	sbr.ind lr, $3  }
0x3a: {  	_ = 	snop  }
0x3b: {  	_ = 	snop  }
0x3c: {  	p2 =	seq.s32 s10, $0x1;
	s10 =	sld [smem:$0x3FB7]  }
0x3d: {  	_ =	shalt  }
0x3e: {  	_ =	shalt  }
0x3f: {  	_ =	shalt  }
0x40: {  	_ =	shalt  }
0x41: {  	_ =	shalt  }
0x42: {  	_ =	shalt  }
0x43: {  	_ =	shalt  }
0x44: {  	_ =	shalt  }
0x45: {  	_ =	shalt  }
0x46: {  	_ =	shalt  }
0x47: {  	_ =	shalt  }
0x48: {  	_ =	shalt  }
0x49: {  	_ =	shalt  }
0x4a: {  	_ =	shalt  }
0x4b: {  	_ =	shalt  }
0x4c: {  	_ =	shalt  }
0x4d: {  	_ =	shalt  }
0x4e: {  	_ =	shalt  }
0x4f: {  	_ =	shalt  }
0x50: {  	_ =	shalt  }
0x51: {  	_ =	shalt  }
0x52: {  	_ =	shalt  }
0x53: {  	_ =	shalt  }
0x54: {  	_ =	shalt  }
0x55: {  	_ =	shalt  }
0x56: {  	_ =	shalt  }
0x57: {  	_ =	shalt  }
0x58: {  	_ =	shalt  }
0x59: {  	_ =	shalt  }
0x5a: {  	_ =	shalt  }
0x5b: {  	_ =	shalt  }
0x5c: {  	_ =	shalt  }
0x5d: {  	_ =	shalt  }
0x5e: {  	_ =	shalt  }
0x5f: {  	_ =	shalt  }
0x60: {  	_ =	shalt  }
0x61: {  	_ =	shalt  }
0x62: {  	_ =	shalt  }
0x63: {  	_ =	shalt  }
0x64: {  	_ =	shalt  }
0x65: {  	_ =	shalt  }
0x66: {  	_ =	shalt  }
0x67: {  	_ =	shalt  }
0x68: {  	_ =	shalt  }
0x69: {  	_ =	shalt  }
0x6a: {  	_ =	shalt  }
0x6b: {  	_ =	shalt  }
0x6c: {  	_ =	shalt  }
0x6d: {  	_ =	shalt  }
0x6e: {  	_ =	shalt  }
0x6f: {  	_ =	shalt  }
0x70: {  	_ =	shalt  }
0x71: {  	_ =	shalt  }
0x72: {  	_ =	shalt  }
0x73: {  	_ =	shalt  }
0x74: {  	_ =	shalt  }
0x75: {  	_ =	shalt  }
0x76: {  	_ =	shalt  }
0x77: {  	_ =	shalt  }
0x78: {  	_ =	shalt  }
0x79: {  	_ =	shalt  }
0x7a: {  	_ =	shalt  }
0x7b: {  	_ =	shalt  }
0x7c: {  	_ =	shalt  }
0x7d: {  	_ =	shalt  }
0x7e: {  	_ =	shalt  }
0x7f: {  	_ =	shalt  }
0x80: {  	_ =	shalt  }
0x81: {  	_ =	shalt  }
0x82: {  	_ =	shalt  }
0x83: {  	_ =	shalt  }
0x84: {  	_ =	shalt  }
0x85: {  	_ =	shalt  }
0x86: {  	_ =	shalt  }
0x87: {  	_ =	shalt  }
.Lfunc_end0:
.L_simem_size_0:
called_computation_lowered:
.L_overlay_start_0:
0x88: {  	s2 =	sld [smem:$0x3FD9]  }
0x89: {  	s3 =	sld [smem:$0x3FFE];
	_ =	sdelay $0x1  }
0x8a: {  	s1 =	srdreg.scid  }
0x8b: {  	s0 =	sand.u32 $0x1, s1  }
0x8c: {  	s17 =	sshll.u32 s0, $0xA;
	s2 =	sadd.s32 s3, s2  }
0x8d: {  	s2 =	sadd.s32 s2, s17  }
0x8e: {  	[smem:$0x3FC3] =	sst s2  }
0x8f: {  	_ = 	snop  }
0x90: {  	s2 =	sld [smem:$0x3FC7]  }
0x91: {  	s18 =	sld [smem:$0x3FC6]  }
0x92: {  	s4 =	sld [smem:$0x3FC5]  }
0x93: {  	s5 =	sld [smem:$0x3FD0];
	(tm) =	ssettm $0x1  }
0x94: {  	s6 =	sld [smem:$0x3FFB];
	_ =	sdelay $0x3  }
0x95: {  	_ =	strace s6  }
0x96: {  	s6 =	sld [smem:$0x3FFC];
	_ =	sdelay $0x3  }
0x97: {  	_ =	strace s6  }
0x98: {  	s6 =	sld [smem:$0x3FFD];
	_ =	sdelay $0x3  }
0x99: {  	_ =	strace s6  }
0x9a: {  	_ =	strace $0x8FFFFFFF  }
0x9b: {  	s19 =	sld [smem:$0x3FDB];
	_ =	sdelay $0x1  }
0x9c: {  	s7 =	simm.s32 $_scs_section_size  }
0x9d: {  	s8 =	simm.s32 $_size__tile_overlayer_lowered;
	s9 =	simm.s32 $_tile_overlayer_lowered  }
0x9e: {  	s22 =	simm.s32 $0x1BFF;
	s21 =	sshll.u32 s9, $0x1;
	s6 =	sadd.s32 s7, s19  }
0x9f: {  	s10 =	simm.s32 $0x0;
	s20 =	sshll.u32 s8, $0x1;
	s8 =	sadd.s32 s21, s6  }
0xa0: {  	[timem:s10], [sflag:s22] =	dma.local [hbm:s8], s20  }
0xa1: {  	_ =	swait.ge [sflag:s22], s20  }
0xa2: {  	s7 =	ssub.s32 $0x0, s20;
	[sflag:s22] =	ssyncset.done $0x0  }
0xa3: {  	[sflag:s22] =	ssyncadd.s32 s7;
	_ =	sdelay $0x1  }
0xa4: {  	s23 =	simm.s32 $0x1B8B  }
0xa5: {  	_ =	swait.ge [sflag:s23], $0x1  }
0xa6: {  	[sflag:s23] =	ssyncset.done $0x0  }
0xa7: {  	s25 =	simm.s32 $0x1B8E;
	s24 =	sld [smem:$0x3FFE];
	[sflag:s23] =	ssyncadd.s32 $0xFFFFFFFF  }
0xa8: {  	s26 =	simm.s32 $execute0_lowered;
	[smem:$0x3FD2] =	sst s25  }
0xa9: {  	s8 =	sshll.u32 s26, $0x1;
	_ =	strace $0x80000046;
	[dreg:$0x1] =	wrdreg $0xFFFFFFFF  }
0xaa: {  	s28 =	simm.s32 $_size_execute0_lowered;
	s6 =	sadd.s32 s6, s8;
	[dreg:$0x0] =	wrdreg $0x0  }
0xab: {  	s8 =	sshll.u32 s28, $0x1;
	[dreg:$0x2] =	wrdreg s6  }
0xac: {  	[dreg:$0x3] =	wrdreg s8  }
0xad: {  	[dreg:$0x4] =	wrdreg $0xC0  }
0xae: {  	_ =	task [dreg:s10], $0x5FFFF  }
0xaf: {  	[dreg:$0x1] =	wrdreg $0xFFFFFFFF  }
0xb0: {  	[dreg:$0x0] =	wrdreg $0x60  }
0xb1: {  	[dreg:$0x2] =	wrdreg s24  }
0xb2: {  	[dreg:$0x3] =	wrdreg s2  }
0xb3: {  	[dreg:$0x4] =	wrdreg s18  }
0xb4: {  	[dreg:$0x5] =	wrdreg s4  }
0xb5: {  	[dreg:$0x6] =	wrdreg s5  }
0xb6: {  	[dreg:$0x7] =	wrdreg $0x9  }
0xb7: {  	_ =	task.clear_ibuf [dreg:s10], $0x8FFFF;
	_ =	strace $0x90000046  }
0xb8: {  	s29 =	simm.s32 $0x9;
	_ =	strace $0x80000048  }
0xb9: {  	_ =	swait.ge [sflag:s29], $0x1  }
0xba: {  	[sflag:s29] =	ssyncadd.s32 $0xFFFFFFFF  }
0xbb: {  	_ =	strace $0x90000048  }
0xbc: {  	_ =	sfence  }
0xbd: {  	s30 =	sld [smem:$0x0];
	_ =	sdelay $0x2  }
0xbe: {  	s31 =	sshll.u32 s1, $0xD;
	s1 =	sshrl.u32 s1, $0x2  }
0xbf: {  	s3 =	sand.u32 $0x4000, s31;
	s1 =	sadd.s32 s1, s30  }
0xc0: {  	s0 =	sor.u32 s3, s0;
	s1 =	sshll.u32 s1, $0x11  }
0xc1: {  	s0 =	sor.u32 s1, s0  }
0xc2: {  	s0 =	sadd.s32 $0x8F2B, s0  }
0xc3: {  	[sflag:s0] =	ssyncadd.remote.s32 $0x1  }
0xc4: {  	_ =	sfence.sel $0xFFFF  }
0xc5: {  	[dreg:$0x0] =	wrdreg $0xFFFFFFFF;
	(pc) =	sbr.abs _section_cstart, $3  }
0xc6: {  	[dreg:$0x1] =	wrdreg $0xFFFFFFFF  }
0xc7: {  	_ =	task.clear_ibuf [dreg:s10], $0x2FFFF;
	_ =	strace $0x9FFFFFFF  }
0xc8: {  	(tm) =	ssettm $0x7FFFFFFF  }
0xc9: {  	_ =	shalt  }
tec
execute0_lowered:
.L_overlay_start_1:
0x0: {  	(tag) =	ssettag $0x1  }
0x1: {  	s5 =	rddreg [dreg:$0x0]  }
0x2: {  	s1 =	rddreg [dreg:$0x1]  }
0x3: {  	s2 =	rddreg [dreg:$0x2]  }
0x4: {  	s6 =	rddreg [dreg:$0x3]  }
0x5: {  	s8 =	rddreg [dreg:$0x4];
	s7 =	srdreg.scid  }
0x6: {  	s3 =	stileid.u32;
	s4 =	simm.s32 $0x0;
	s13 =	simm.s32 $0x5  }
0x7: {  	s14 =	simm.s32 $0x80;
	s15 =	simm.s32 $0x400;
	s16 =	simm.s32 $0x4400  }
0x8: {  	s17 =	simm.s32 $0x8400;
	s18 =	simm.s32 $0x100;
	s19 =	simm.s32 $0x200  }
0x9: {  	s20 =	simm.s32 $0x3;
	s21 =	simm.s32 $0x1;
	s22 =	simm.s32 $0x2400  }
0xa: {  	s23 =	simm.s32 $0x2;
	s24 =	simm.s32 $0x6400;
	s25 =	simm.s32 $0x4  }
0xb: {  	s26 =	simm.s32 $0x0;
	s7 =	sand.u32 $0x1, s7;
	s9 =	sshll.u32 s3, $0x1  }
0xc: {  	[smem:$0x7FF] =	sst s4;
	s9 =	sor.u32 s7, s9;
	s7 =	ssub.s32 $0x2, s7  }
0xd: {  	_ =	strace $0x80000047;
	s10 =	sshll.u32 s9, $0x5;
	s30 =	sshrl.u32 s7, $0x1  }
0xe: {  	v0 =	vlaneseq.u32;
	s9 =	sshll.u32 s9, $0xC;
	s10 =	sadd.s32 s10, s5;
	s12 =	ssub.s32 s7, s30  }
0xf: {  	v1 =	vor.u32 $0x10, v0;
	s31 =	sand.u32 $0x7000, s9;
	s8 =	sadd.s32 s8, s9;
	s5 =	sadd.s32 $0x400, s10  }
0x10: {  	v2 =	vor.u32 $0x20, v0;
	v3 =	vor.u32 $0x30, v0;
	v4 =	vor.u32 $0x40, v0;
	s6 =	sadd.s32 s6, s31;
	s7 =	sadd.s32 $0x800, s10;
	s9 =	sadd.s32 $0x400, s8  }
0x11: {  	v5 =	vor.u32 $0x50, v0;
	v6 =	vor.u32 $0x60, v0;
	v7 =	vor.u32 $0x70, v0;
	s10 =	sadd.s32 $0x800, s8;
	s11 =	sadd.s32 $0xC00, s8;
	s12 =	smax.u32 s12, $0x1  }
.LBB2_1:
0x12: {  	[tilespmem:s4], [sflag:$0x5] =	stream.linear.gather [hbm4b:s5+s4], $0x100, $0x38;
	[tilespmem:$0x10400] =	vst v63  }
0x13: {  	_ =	swait.ge [sflag:s13], $0x100  }
0x14: {  	[sflag:s13] =	ssyncset.done $0x0  }
0x15: {  	[sflag:s13] =	ssyncadd.s32 $0xFFFFFF00  }
0x16: {  	[tilespmem:s15], [sflag:$0x1] =	stream.indirect.gather [hbm4b:s1+s14], $0x80, s4, s14, $0xb8;
	[tilespmem:$0x10400] =	vst v63  }
0x17: {  	_ = 	snop  }
0x18: {  	[tilespmem:s16], [sflag:$0x2] =	stream.indirect.gather [hbm4b:s1+s14], $0x80, s14, s14, $0xb8;
	[tilespmem:$0x10400] =	vst v63  }
0x19: {  	_ = 	snop  }
0x1a: {  	[tilespmem:s17], [sflag:$0x3] =	stream.linear.gather [hbm4b:s6+s4], $0x8000, $0x38;
	[tilespmem:$0x10400] =	vst v63  }
0x1b: {  	_ = 	snop  }
0x1c: {  	[tilespmem:s18], [sflag:$0x3] =	stream.linear.gather [hbm4b:s7+s4], $0x100, $0x38;
	[tilespmem:$0x10400] =	vst v63  }
0x1d: {  	_ = 	snop  }
0x1e: {  	[tilespmem:s19], [sflag:$0x3] =	stream.linear.gather [hbm4b:s2+s4], $0x180, $0x38;
	[tilespmem:$0x10400] =	vst v63  }
0x1f: {  	_ =	swait.ge [sflag:s20], $0x8000  }
0x20: {  	[sflag:s20] =	ssyncset.done $0x0  }
0x21: {  	[sflag:s20] =	ssyncadd.s32 $0xFFFF8000  }
0x22: {  	_ =	swait.ge [sflag:s20], $0x100  }
0x23: {  	[sflag:s20] =	ssyncset.done $0x0  }
0x24: {  	v8 =	vmov s4;
	s28 =	simm.s32 $0x1;
	s29 =	simm.s32 $0x2;
	[sflag:s20] =	ssyncadd.s32 $0xFFFFFF00  }
0x25: {  	v8 =	vand.u32 $0xFFFFFFFC, v8;
	v9 =	vmov s28;
	s28 =	simm.s32 $0x3;
	v11 =	vmov s29;
	_ =	swait.ge [sflag:s20], $0x180  }
0x26: {  	v8 =	vbroadcast v8, $0x0;
	v9 =	vand.u32 $0xFFFFFFFD, v9;
	v10 =	vmov s28;
	[sflag:s20] =	ssyncset.done $0x0  }
0x27: {  	v11 =	vand.u32 $0xFFFFFFFE, v11;
	v9 =	vbroadcast v9, $0x0;
	[sflag:s20] =	ssyncadd.s32 $0xFFFFFE80  }
0x28: {  	v11 =	vbroadcast v11, $0x0;
	_ =	swait.ge [sflag:s21], $0x4000  }
0x29: {  	[sflag:s21] =	ssyncset.done $0x0  }
0x2a: {  	[sflag:s21] =	ssyncadd.s32 $0xFFFFC000  }
0x2b: {  	s28 =	simm.s32 $0x4;
	v10 =	vld.idx.msk [tilespmem:v10+s18+$0x0], $0xffff  }
0x2c: {  	v12 =	vmov s28;
	s28 =	simm.s32 $0x5;
	v8 =	vld.idx.msk [tilespmem:v8+s18+$0x0], $0xffff  }
0x2d: {  	v13 =	vmov s28;
	s28 =	simm.s32 $0x7;
	v9 =	vld.idx.msk [tilespmem:v9+s18+$0x0], $0xffff  }
0x2e: {  	v15 =	vmov s28;
	s28 =	simm.s32 $0x0;
	v16 =	vld.idx.msk [tilespmem:v11+s18+$0x0], $0xffff  }
0x2f: {  	v12 =	vand.u32 $0xFFFFFFFC, v12;
	v20 =	vld [tilespmem:s28+$0x8400]  }
0x30: {  	v14 =	vbroadcast v12, $0x0;
	v21 =	vld [tilespmem:s28+$0x8480]  }
0x31: {  	v12 =	vand.u32 $0xFFFFFFFD, v13;
	v23 =	vld [tilespmem:s28+$0x8580]  }
0x32: {  	v17 =	vbroadcast v12, $0x0;
	v24 =	vld [tilespmem:s28+$0x8410]  }
0x33: {  	v25 =	vld [tilespmem:s28+$0x8490];
	v11 =	vshll.u32 v10, $0x7  }
0x34: {  	v40 =	vld [tilespmem:s28+$0x8510];
	v13 =	vshll.u32 v8, $0x7;
	v18 =	vor.u32 v0, v11  }
0x35: {  	v42 =	vld [tilespmem:s28+$0x8520];
	v16 =	vshll.u32 v16, $0x7;
	v19 =	vor.u32 v0, v13  }
0x36: {  	v12 =	vshll.u32 v9, $0x7;
	v9 =	vld.idx.msk [tilespmem:v14+s18+$0x0], $0xffff;
	v14 =	vor.u32 v0, v16  }
0x37: {  	v10 =	vld.idx.msk [tilespmem:v15+s18+$0x0], $0xffff  }
0x38: {  	v8 =	vld.idx.msk [tilespmem:v17+s18+$0x0], $0xffff  }
0x39: {  	v15 =	vor.u32 v0, v12;
	v17 =	vld.idx.msk [tilespmem:v18+s19+$0x0], $0xffff  }
0x3a: {  	v18 =	vld.idx.msk [tilespmem:v19+s19+$0x0], $0xffff  }
0x3b: {  	v14 =	vld.idx.msk [tilespmem:v14+s19+$0x0], $0xffff  }
0x3c: {  	v19 =	vld [tilespmem:s28+$0x8500]  }
0x3d: {  	v43 =	vld [tilespmem:s28+$0x8420]  }
0x3e: {  	v15 =	vld.idx.msk [tilespmem:v15+s19+$0x0], $0xffff  }
0x3f: {  	v45 =	vld [tilespmem:s28+$0x84A0];
	v22 =	vor.u32 v1, v16  }
0x40: {  	v48 =	vld [tilespmem:s28+$0x85A0]  }
0x41: {  	v49 =	vld [tilespmem:s28+$0x8430];
	v14 =	vadd.f32 v19, v14  }
0x42: {  	v19 =	vld [tilespmem:s28+$0x8590]  }
0x43: {  	v39 =	vor.u32 v1, v13;
	[tilespmem:s28+$0x500] =	vst.add.f32.msk $0xffff, v14;
	v14 =	vadd.f32 v21, v15  }
0x44: {  	v18 =	vadd.f32 v20, v18;
	v15 =	vor.u32 v1, v12;
	v38 =	vld.idx.msk [tilespmem:v22+s19+$0x0], $0xffff  }
0x45: {  	v17 =	vadd.f32 v23, v17;
	[tilespmem:s28+$0x480] =	vst.add.f32.msk $0xffff, v14;
	v14 =	vor.u32 v1, v11  }
0x46: {  	[tilespmem:s28+$0x400] =	vst.add.f32.msk $0xffff, v18  }
0x47: {  	v18 =	vor.u32 v2, v16;
	[tilespmem:s28+$0x580] =	vst.add.f32.msk $0xffff, v17  }
0x48: {  	v17 =	vld.idx.msk [tilespmem:v39+s19+$0x0], $0xffff  }
0x49: {  	v15 =	vld.idx.msk [tilespmem:v15+s19+$0x0], $0xffff;
	v41 =	vadd.f32 v40, v38  }
0x4a: {  	v14 =	vld.idx.msk [tilespmem:v14+s19+$0x0], $0xffff  }
0x4b: {  	[tilespmem:s28+$0x510] =	vst.add.f32.msk $0xffff, v41  }
0x4c: {  	v18 =	vld.idx.msk [tilespmem:v18+s19+$0x0], $0xffff  }
0x4d: {  	v51 =	vld [tilespmem:s28+$0x8540];
	v44 =	vor.u32 v2, v12;
	v17 =	vadd.f32 v24, v17  }
0x4e: {  	v52 =	vld [tilespmem:s28+$0x84B0];
	v15 =	vadd.f32 v25, v15  }
0x4f: {  	[tilespmem:s28+$0x410] =	vst.add.f32.msk $0xffff, v17;
	v14 =	vadd.f32 v19, v14  }
0x50: {  	[tilespmem:s28+$0x490] =	vst.add.f32.msk $0xffff, v15;
	v15 =	vor.u32 v3, v16  }
0x51: {  	v18 =	vadd.f32 v42, v18;
	[tilespmem:s28+$0x590] =	vst.add.f32.msk $0xffff, v14  }
0x52: {  	v14 =	vld.idx.msk [tilespmem:v44+s19+$0x0], $0xffff  }
0x53: {  	v17 =	vor.u32 v2, v13;
	[tilespmem:s28+$0x520] =	vst.add.f32.msk $0xffff, v18  }
0x54: {  	v18 =	vld [tilespmem:s28+$0x8530]  }
0x55: {  	v15 =	vld.idx.msk [tilespmem:v15+s19+$0x0], $0xffff  }
0x56: {  	v53 =	vld [tilespmem:s28+$0x85B0];
	v19 =	vor.u32 v2, v11  }
0x57: {  	v54 =	vld [tilespmem:s28+$0x8550]  }
0x58: {  	v47 =	vor.u32 v4, v16;
	v17 =	vld.idx.msk [tilespmem:v17+s19+$0x0], $0xffff;
	v14 =	vadd.f32 v45, v14  }
0x59: {  	v56 =	vld [tilespmem:s28+$0x8440];
	v46 =	vor.u32 v3, v12  }
0x5a: {  	[tilespmem:s28+$0x4A0] =	vst.add.f32.msk $0xffff, v14;
	v14 =	vadd.f32 v18, v15  }
0x5b: {  	v19 =	vld.idx.msk [tilespmem:v19+s19+$0x0], $0xffff;
	v18 =	vor.u32 v3, v13  }
0x5c: {  	[tilespmem:s28+$0x530] =	vst.add.f32.msk $0xffff, v14  }
0x5d: {  	v14 =	vadd.f32 v43, v17;
	v17 =	vld.idx.msk [tilespmem:v47+s19+$0x0], $0xffff  }
0x5e: {  	v50 =	vor.u32 v3, v11;
	v15 =	vld.idx.msk [tilespmem:v46+s19+$0x0], $0xffff  }
0x5f: {  	[tilespmem:s28+$0x420] =	vst.add.f32.msk $0xffff, v14  }
0x60: {  	v19 =	vadd.f32 v48, v19;
	v14 =	vld.idx.msk [tilespmem:v18+s19+$0x0], $0xffff;
	v18 =	vor.u32 v5, v16  }
0x61: {  	v58 =	vld [tilespmem:s28+$0x84C0]  }
0x62: {  	[tilespmem:s28+$0x5A0] =	vst.add.f32.msk $0xffff, v19;
	v17 =	vadd.f32 v51, v17  }
0x63: {  	v19 =	vld.idx.msk [tilespmem:v50+s19+$0x0], $0xffff  }
0x64: {  	v55 =	vor.u32 v4, v13;
	[tilespmem:s28+$0x540] =	vst.add.f32.msk $0xffff, v17  }
0x65: {  	v15 =	vadd.f32 v52, v15;
	v17 =	vld.idx.msk [tilespmem:v18+s19+$0x0], $0xffff  }
0x66: {  	v59 =	vld [tilespmem:s28+$0x85C0];
	v14 =	vadd.f32 v49, v14;
	v18 =	vor.u32 v4, v12  }
0x67: {  	[tilespmem:s28+$0x4B0] =	vst.add.f32.msk $0xffff, v15  }
0x68: {  	[tilespmem:s28+$0x430] =	vst.add.f32.msk $0xffff, v14;
	v14 =	vadd.f32 v53, v19  }
0x69: {  	v15 =	vor.u32 v6, v16;
	v19 =	vld.idx.msk [tilespmem:v55+s19+$0x0], $0xffff  }
0x6a: {  	[tilespmem:s28+$0x5B0] =	vst.add.f32.msk $0xffff, v14;
	v17 =	vadd.f32 v54, v17  }
0x6b: {  	v14 =	vld.idx.msk [tilespmem:v18+s19+$0x0], $0xffff  }
0x6c: {  	[tilespmem:s28+$0x550] =	vst.add.f32.msk $0xffff, v17  }
0x6d: {  	v18 =	vor.u32 v4, v11;
	v17 =	vld [tilespmem:s28+$0x8560]  }
0x6e: {  	v15 =	vld.idx.msk [tilespmem:v15+s19+$0x0], $0xffff  }
0x6f: {  	v60 =	vld [tilespmem:s28+$0x8450];
	v57 =	vor.u32 v5, v13;
	v19 =	vadd.f32 v56, v19  }
0x70: {  	v61 =	vld [tilespmem:s28+$0x8570]  }
0x71: {  	v16 =	vor.u32 v7, v16;
	[tilespmem:s28+$0x440] =	vst.add.f32.msk $0xffff, v19;
	v14 =	vadd.f32 v58, v14  }
0x72: {  	v19 =	vor.u32 v5, v12;
	v18 =	vld.idx.msk [tilespmem:v18+s19+$0x0], $0xffff  }
0x73: {  	[tilespmem:s28+$0x4C0] =	vst.add.f32.msk $0xffff, v14;
	v15 =	vadd.f32 v17, v15  }
0x74: {  	v17 =	vld.idx.msk [tilespmem:v57+s19+$0x0], $0xffff  }
0x75: {  	[tilespmem:s28+$0x560] =	vst.add.f32.msk $0xffff, v15  }
0x76: {  	v15 =	vld.idx.msk [tilespmem:v16+s19+$0x0], $0xffff;
	v16 =	vor.u32 v5, v11  }
0x77: {  	v14 =	vld.idx.msk [tilespmem:v19+s19+$0x0], $0xffff;
	v18 =	vadd.f32 v59, v18  }
0x78: {  	v19 =	vld [tilespmem:s28+$0x84D0]  }
0x79: {  	[tilespmem:s28+$0x5C0] =	vst.add.f32.msk $0xffff, v18;
	v18 =	vor.u32 v6, v13  }
0x7a: {  	v62 =	vld [tilespmem:s28+$0x85D0]  }
0x7b: {  	v17 =	vadd.f32 v60, v17;
	v16 =	vld.idx.msk [tilespmem:v16+s19+$0x0], $0xffff  }
0x7c: {  	v63 =	vld [tilespmem:s28+$0x8460]  }
0x7d: {  	v14 =	vadd.f32 v19, v14;
	[tilespmem:s28+$0x450] =	vst.add.f32.msk $0xffff, v17  }
0x7e: {  	v15 =	vadd.f32 v61, v15;
	v17 =	vld.idx.msk [tilespmem:v18+s19+$0x0], $0xffff;
	v18 =	vor.u32 v6, v12  }
0x7f: {  	v19 =	vor.u32 v6, v11;
	[tilespmem:s28+$0x4D0] =	vst.add.f32.msk $0xffff, v14  }
0x80: {  	[tilespmem:s28+$0x570] =	vst.add.f32.msk $0xffff, v15;
	v16 =	vadd.f32 v62, v16  }
0x81: {  	v15 =	vld [tilespmem:s28+$0x84E0]  }
0x82: {  	v13 =	vor.u32 v7, v13;
	[tilespmem:s28+$0x5D0] =	vst.add.f32.msk $0xffff, v16  }
0x83: {  	v16 =	vld.idx.msk [tilespmem:v18+s19+$0x0], $0xffff  }
0x84: {  	s31 =	simm.s32 $0x6;
	s30 =	simm.s32 $0x8;
	s29 =	simm.s32 $0x0;
	v14 =	vadd.f32 v63, v17;
	v17 =	vld.idx.msk [tilespmem:v19+s19+$0x0], $0xffff  }
.LBB2_2:
0x85: {  	p0 =	slt.u32 s30, $0x3C;
	v18 =	vmov s31;
	v19 =	vld [tilespmem:s28+$0x85E0]  }
0x86: {  	v18 =	vand.u32 $0xFFFFFFFE, v18;
	[tilespmem:s28+$0x460] =	vst.add.f32.msk $0xffff, v14  }
0x87: {  	v14 =	vbroadcast v18, $0x0;
	v13 =	vld.idx.msk [tilespmem:v13+s19+$0x0], $0xffff  }
0x88: {  	v18 =	vld [tilespmem:s28+$0x8470]  }
0x89: {  	v12 =	vor.u32 v7, v12;
	v15 =	vadd.f32 v15, v16;
	v16 =	vld [tilespmem:s28+$0x84F0]  }
0x8a: {  	v20 =	vmov s30;
	s31 =	sadd.s32 $0x1, s30;
	v17 =	vadd.f32 v19, v17;
	v19 =	vor.u32 v7, v11;
	v21 =	vld [tilespmem:s28+$0x85F0]  }
0x8b: {  	v11 =	vand.u32 $0xFFFFFFFC, v20;
	v20 =	vmov s31;
	s31 =	sadd.s32 $0x3, s30;
	[tilespmem:s28+$0x4E0] =	vst.add.f32.msk $0xffff, v15  }
0x8c: {  	v15 =	vbroadcast v11, $0x0;
	v11 =	vand.u32 $0xFFFFFFFD, v20;
	v20 =	vmov s31;
	[tilespmem:s28+$0x5E0] =	vst.add.f32.msk $0xffff, v17  }
0x8d: {  	v17 =	vbroadcast v11, $0x0;
	v14 =	vld.idx.msk [tilespmem:v14+s18+$0x0], $0xffff;
	v18 =	vadd.f32 v18, v13  }
0x8e: {  	v11 =	vshll.u32 v10, $0x7;
	v22 =	vld.idx.msk [tilespmem:v12+s19+$0x0], $0xffff  }
0x8f: {  	v13 =	vshll.u32 v9, $0x7;
	v23 =	vor.u32 v0, v11;
	v19 =	vld.idx.msk [tilespmem:v19+s19+$0x0], $0xffff  }
0x90: {  	v24 =	vor.u32 v0, v13;
	[tilespmem:s28+$0x470] =	vst.add.f32.msk $0xffff, v18  }
0x91: {  	v10 =	vld.idx.msk [tilespmem:v20+s18+$0x0], $0xffff  }
0x92: {  	v12 =	vshll.u32 v8, $0x7;
	v9 =	vld.idx.msk [tilespmem:v15+s18+$0x0], $0xffff  }
0x93: {  	v15 =	vor.u32 v0, v12;
	v14 =	vshll.u32 v14, $0x7;
	v8 =	vld.idx.msk [tilespmem:v17+s18+$0x0], $0xffff  }
0x94: {  	v17 =	vor.u32 v0, v14;
	v16 =	vadd.f32 v16, v22;
	v18 =	vld.idx.msk [tilespmem:v23+s19+$0x0], $0xffff  }
0x95: {  	v19 =	vadd.f32 v21, v19;
	v20 =	vld.idx.msk [tilespmem:v24+s19+$0x0], $0xffff  }
0x96: {  	[tilespmem:s28+$0x4F0] =	vst.add.f32.msk $0xffff, v16  }
0x97: {  	[tilespmem:s28+$0x5F0] =	vst.add.f32.msk $0xffff, v19  }
0x98: {  	s29 =	sadd.s32 $0x800, s29;
	v15 =	vld.idx.msk [tilespmem:v15+s19+$0x0], $0xffff  }
0x99: {  	s28 =	sshra.s32 s29, $0x2;
	v16 =	vld.idx.msk [tilespmem:v17+s19+$0x0], $0xffff  }
0x9a: {  	v17 =	vld [tilespmem:s28+$0x8500]  }
0x9b: {  	v19 =	vld [tilespmem:s28+$0x8400]  }
0x9c: {  	v21 =	vld [tilespmem:s28+$0x8480]  }
0x9d: {  	v22 =	vor.u32 v1, v14;
	v23 =	vld [tilespmem:s28+$0x8580]  }
0x9e: {  	v24 =	vld [tilespmem:s28+$0x8410]  }
0x9f: {  	v25 =	vld [tilespmem:s28+$0x8490];
	v16 =	vadd.f32 v17, v16  }
0xa0: {  	v17 =	vadd.f32 v19, v20;
	v19 =	vld [tilespmem:s28+$0x8590]  }
0xa1: {  	v15 =	vadd.f32 v21, v15;
	[tilespmem:s28+$0x500] =	vst.add.f32.msk $0xffff, v16  }
0xa2: {  	v16 =	vor.u32 v1, v12;
	v20 =	vld.idx.msk [tilespmem:v22+s19+$0x0], $0xffff;
	v18 =	vadd.f32 v23, v18  }
0xa3: {  	v21 =	vor.u32 v1, v13;
	v22 =	vld [tilespmem:s28+$0x8510]  }
0xa4: {  	[tilespmem:s28+$0x480] =	vst.add.f32.msk $0xffff, v15;
	v15 =	vor.u32 v1, v11  }
0xa5: {  	[tilespmem:s28+$0x400] =	vst.add.f32.msk $0xffff, v17  }
0xa6: {  	v17 =	vor.u32 v2, v14;
	[tilespmem:s28+$0x580] =	vst.add.f32.msk $0xffff, v18  }
0xa7: {  	v16 =	vld.idx.msk [tilespmem:v16+s19+$0x0], $0xffff  }
0xa8: {  	v18 =	vld.idx.msk [tilespmem:v21+s19+$0x0], $0xffff;
	v20 =	vadd.f32 v22, v20  }
0xa9: {  	v15 =	vld.idx.msk [tilespmem:v15+s19+$0x0], $0xffff  }
0xaa: {  	[tilespmem:s28+$0x510] =	vst.add.f32.msk $0xffff, v20  }
0xab: {  	v17 =	vld.idx.msk [tilespmem:v17+s19+$0x0], $0xffff  }
0xac: {  	v20 =	vld [tilespmem:s28+$0x8520]  }
0xad: {  	v22 =	vor.u32 v2, v12;
	v16 =	vadd.f32 v25, v16;
	v21 =	vld [tilespmem:s28+$0x8420]  }
0xae: {  	v18 =	vadd.f32 v24, v18;
	v23 =	vld [tilespmem:s28+$0x84A0]  }
0xaf: {  	v15 =	vadd.f32 v19, v15;
	[tilespmem:s28+$0x490] =	vst.add.f32.msk $0xffff, v16;
	v16 =	vor.u32 v3, v14  }
0xb0: {  	[tilespmem:s28+$0x410] =	vst.add.f32.msk $0xffff, v18  }
0xb1: {  	v18 =	vor.u32 v2, v13;
	v17 =	vadd.f32 v20, v17;
	[tilespmem:s28+$0x590] =	vst.add.f32.msk $0xffff, v15  }
0xb2: {  	v19 =	vor.u32 v2, v11;
	v15 =	vld.idx.msk [tilespmem:v22+s19+$0x0], $0xffff  }
0xb3: {  	[tilespmem:s28+$0x520] =	vst.add.f32.msk $0xffff, v17  }
0xb4: {  	v16 =	vld.idx.msk [tilespmem:v16+s19+$0x0], $0xffff  }
0xb5: {  	v17 =	vld [tilespmem:s28+$0x8530]  }
0xb6: {  	v20 =	vor.u32 v3, v12;
	v18 =	vld.idx.msk [tilespmem:v18+s19+$0x0], $0xffff  }
0xb7: {  	v19 =	vld.idx.msk [tilespmem:v19+s19+$0x0], $0xffff  }
0xb8: {  	v22 =	vor.u32 v4, v14;
	v15 =	vadd.f32 v23, v15;
	v23 =	vld [tilespmem:s28+$0x85A0]  }
0xb9: {  	v24 =	vld [tilespmem:s28+$0x8430]  }
0xba: {  	[tilespmem:s28+$0x4A0] =	vst.add.f32.msk $0xffff, v15;
	v15 =	vadd.f32 v17, v16  }
0xbb: {  	v16 =	vld.idx.msk [tilespmem:v20+s19+$0x0], $0xffff  }
0xbc: {  	v17 =	vadd.f32 v21, v18;
	v18 =	vor.u32 v3, v13;
	[tilespmem:s28+$0x530] =	vst.add.f32.msk $0xffff, v15  }
0xbd: {  	v20 =	vor.u32 v3, v11;
	v15 =	vld.idx.msk [tilespmem:v22+s19+$0x0], $0xffff;
	v19 =	vadd.f32 v23, v19  }
0xbe: {  	v21 =	vld [tilespmem:s28+$0x8540]  }
0xbf: {  	[tilespmem:s28+$0x420] =	vst.add.f32.msk $0xffff, v17  }
0xc0: {  	[tilespmem:s28+$0x5A0] =	vst.add.f32.msk $0xffff, v19  }
0xc1: {  	v17 =	vld.idx.msk [tilespmem:v18+s19+$0x0], $0xffff;
	v18 =	vor.u32 v5, v14  }
0xc2: {  	v19 =	vld.idx.msk [tilespmem:v20+s19+$0x0], $0xffff  }
0xc3: {  	v20 =	vld [tilespmem:s28+$0x84B0];
	v15 =	vadd.f32 v21, v15  }
0xc4: {  	v21 =	vld [tilespmem:s28+$0x85B0]  }
0xc5: {  	[tilespmem:s28+$0x540] =	vst.add.f32.msk $0xffff, v15  }
0xc6: {  	v15 =	vld.idx.msk [tilespmem:v18+s19+$0x0], $0xffff  }
0xc7: {  	v17 =	vadd.f32 v24, v17;
	v18 =	vor.u32 v4, v12;
	v22 =	vld [tilespmem:s28+$0x8550]  }
0xc8: {  	v23 =	vor.u32 v4, v13;
	v24 =	vld [tilespmem:s28+$0x8440];
	v16 =	vadd.f32 v20, v16  }
0xc9: {  	[tilespmem:s28+$0x430] =	vst.add.f32.msk $0xffff, v17;
	v17 =	vadd.f32 v21, v19  }
0xca: {  	[tilespmem:s28+$0x4B0] =	vst.add.f32.msk $0xffff, v16;
	v16 =	vor.u32 v6, v14  }
0xcb: {  	[tilespmem:s28+$0x5B0] =	vst.add.f32.msk $0xffff, v17  }
0xcc: {  	v17 =	vld.idx.msk [tilespmem:v18+s19+$0x0], $0xffff;
	v15 =	vadd.f32 v22, v15;
	v18 =	vor.u32 v4, v11  }
0xcd: {  	v19 =	vld.idx.msk [tilespmem:v23+s19+$0x0], $0xffff  }
0xce: {  	[tilespmem:s28+$0x550] =	vst.add.f32.msk $0xffff, v15  }
0xcf: {  	v15 =	vld.idx.msk [tilespmem:v16+s19+$0x0], $0xffff  }
0xd0: {  	v16 =	vld [tilespmem:s28+$0x8560]  }
0xd1: {  	v20 =	vor.u32 v5, v13;
	v18 =	vld.idx.msk [tilespmem:v18+s19+$0x0], $0xffff  }
0xd2: {  	v21 =	vld [tilespmem:s28+$0x84C0]  }
0xd3: {  	v14 =	vor.u32 v7, v14;
	v19 =	vadd.f32 v24, v19;
	v22 =	vld [tilespmem:s28+$0x85C0]  }
0xd4: {  	v23 =	vld [tilespmem:s28+$0x8450]  }
0xd5: {  	[tilespmem:s28+$0x440] =	vst.add.f32.msk $0xffff, v19;
	v15 =	vadd.f32 v16, v15  }
0xd6: {  	v16 =	vld.idx.msk [tilespmem:v20+s19+$0x0], $0xffff  }
0xd7: {  	v19 =	vor.u32 v5, v12;
	v17 =	vadd.f32 v21, v17;
	[tilespmem:s28+$0x560] =	vst.add.f32.msk $0xffff, v15  }
0xd8: {  	v14 =	vld.idx.msk [tilespmem:v14+s19+$0x0], $0xffff;
	v15 =	vadd.f32 v22, v18;
	v18 =	vor.u32 v5, v11  }
0xd9: {  	v20 =	vld [tilespmem:s28+$0x8570]  }
0xda: {  	[tilespmem:s28+$0x4C0] =	vst.add.f32.msk $0xffff, v17  }
0xdb: {  	[tilespmem:s28+$0x5C0] =	vst.add.f32.msk $0xffff, v15  }
0xdc: {  	v15 =	vadd.f32 v23, v16;
	v16 =	vld.idx.msk [tilespmem:v19+s19+$0x0], $0xffff  }
0xdd: {  	v17 =	vor.u32 v6, v13;
	v18 =	vld.idx.msk [tilespmem:v18+s19+$0x0], $0xffff  }
0xde: {  	v19 =	vld [tilespmem:s28+$0x84D0];
	v14 =	vadd.f32 v20, v14  }
0xdf: {  	v20 =	vld [tilespmem:s28+$0x85D0]  }
0xe0: {  	[tilespmem:s28+$0x570] =	vst.add.f32.msk $0xffff, v14  }
0xe1: {  	[tilespmem:s28+$0x450] =	vst.add.f32.msk $0xffff, v15  }
0xe2: {  	v14 =	vld.idx.msk [tilespmem:v17+s19+$0x0], $0xffff;
	v17 =	vor.u32 v6, v12  }
0xe3: {  	v21 =	vld [tilespmem:s28+$0x8460];
	v16 =	vadd.f32 v19, v16;
	v19 =	vor.u32 v6, v11  }
.Ltmp0:
0xe4: {  	v15 =	vld [tilespmem:s28+$0x84E0];
	v18 =	vadd.f32 v20, v18;
	(pc) =	sbr.rel @p0 .LBB2_2-.Ltmp0, $4  }
0xe5: {  	[tilespmem:s28+$0x4D0] =	vst.add.f32.msk $0xffff, v16  }
0xe6: {  	v13 =	vor.u32 v7, v13;
	[tilespmem:s28+$0x5D0] =	vst.add.f32.msk $0xffff, v18  }
0xe7: {  	v16 =	vld.idx.msk [tilespmem:v17+s19+$0x0], $0xffff  }
0xe8: {  	s31 =	sadd.s32 $0x2, s30;
	s30 =	sadd.s32 $0x4, s30;
	v14 =	vadd.f32 v21, v14;
	v17 =	vld.idx.msk [tilespmem:v19+s19+$0x0], $0xffff  }
0xe9: {  	v18 =	vmov s31  }
0xea: {  	v19 =	vld [tilespmem:s28+$0x85E0];
	v18 =	vand.u32 $0xFFFFFFFE, v18  }
0xeb: {  	v20 =	vor.u32 v7, v12;
	v12 =	vld [tilespmem:s28+$0x84F0];
	v18 =	vbroadcast v18, $0x0  }
0xec: {  	v21 =	vor.u32 v7, v11;
	v11 =	vshll.u32 v10, $0x7;
	v10 =	vld [tilespmem:s28+$0x85F0]  }
0xed: {  	[tilespmem:s28+$0x460] =	vst.add.f32.msk $0xffff, v14  }
0xee: {  	s29 =	sadd.s32 $0x800, s29;
	v14 =	vld [tilespmem:s28+$0x8470]  }
0xef: {  	s29 =	sshra.s32 s29, $0x2;
	v13 =	vld.idx.msk [tilespmem:v13+s19+$0x0], $0xffff  }
0xf0: {  	v23 =	vld [tilespmem:s29+$0x8480]  }
0xf1: {  	v18 =	vld.idx.msk [tilespmem:v18+s18+$0x0], $0xffff  }
0xf2: {  	v24 =	vld [tilespmem:s29+$0x8400]  }
0xf3: {  	v26 =	vld [tilespmem:s29+$0x8580];
	v16 =	vadd.f32 v15, v16;
	v15 =	vshll.u32 v9, $0x7  }
0xf4: {  	v27 =	vld [tilespmem:s29+$0x8410];
	v22 =	vor.u32 v0, v15  }
0xf5: {  	v17 =	vadd.f32 v19, v17;
	[tilespmem:s28+$0x4E0] =	vst.add.f32.msk $0xffff, v16;
	v16 =	vshll.u32 v8, $0x7  }
0xf6: {  	v9 =	vld.idx.msk [tilespmem:v20+s19+$0x0], $0xffff;
	v20 =	vor.u32 v0, v16;
	v18 =	vshll.u32 v18, $0x7  }
0xf7: {  	[tilespmem:s28+$0x5E0] =	vst.add.f32.msk $0xffff, v17;
	v17 =	vor.u32 v0, v18  }
0xf8: {  	v8 =	vld.idx.msk [tilespmem:v21+s19+$0x0], $0xffff  }
0xf9: {  	v19 =	vor.u32 v0, v11;
	v21 =	vld.idx.msk [tilespmem:v22+s19+$0x0], $0xffff  }
0xfa: {  	v22 =	vld [tilespmem:s29+$0x8500]  }
0xfb: {  	v20 =	vld.idx.msk [tilespmem:v20+s19+$0x0], $0xffff  }
0xfc: {  	v17 =	vld.idx.msk [tilespmem:v17+s19+$0x0], $0xffff  }
0xfd: {  	v47 =	vld [tilespmem:s29+$0x8510]  }
0xfe: {  	v19 =	vld.idx.msk [tilespmem:v19+s19+$0x0], $0xffff;
	v21 =	vadd.f32 v24, v21  }
0xff: {  	v51 =	vld [tilespmem:s29+$0x84A0];
	v25 =	vor.u32 v1, v18  }
0x100: {  	v20 =	vadd.f32 v23, v20;
	[tilespmem:s29+$0x400] =	vst.add.f32.msk $0xffff, v21  }
0x101: {  	v48 =	vor.u32 v1, v11;
	v21 =	vld [tilespmem:s29+$0x8590];
	v17 =	vadd.f32 v22, v17  }
0x102: {  	[tilespmem:s29+$0x480] =	vst.add.f32.msk $0xffff, v20;
	v20 =	vor.u32 v1, v15  }
0x103: {  	v19 =	vadd.f32 v26, v19;
	v23 =	vor.u32 v1, v16;
	[tilespmem:s29+$0x500] =	vst.add.f32.msk $0xffff, v17  }
0x104: {  	v17 =	vld.idx.msk [tilespmem:v25+s19+$0x0], $0xffff  }
0x105: {  	[tilespmem:s29+$0x580] =	vst.add.f32.msk $0xffff, v19  }
0x106: {  	v49 =	vld.idx.msk [tilespmem:v48+s19+$0x0], $0xffff  }
0x107: {  	v19 =	vor.u32 v2, v18;
	v20 =	vld.idx.msk [tilespmem:v20+s19+$0x0], $0xffff  }
0x108: {  	v23 =	vld.idx.msk [tilespmem:v23+s19+$0x0], $0xffff  }
0x109: {  	v22 =	vld [tilespmem:s29+$0x8490];
	v17 =	vadd.f32 v47, v17  }
0x10a: {  	v55 =	vld [tilespmem:s29+$0x84B0]  }
0x10b: {  	[tilespmem:s29+$0x510] =	vst.add.f32.msk $0xffff, v17  }
0x10c: {  	v20 =	vadd.f32 v27, v20;
	v17 =	vld.idx.msk [tilespmem:v19+s19+$0x0], $0xffff  }
0x10d: {  	v50 =	vor.u32 v2, v16;
	v21 =	vadd.f32 v21, v49;
	v19 =	vld [tilespmem:s29+$0x8520]  }
0x10e: {  	v22 =	vadd.f32 v22, v23;
	[tilespmem:s29+$0x410] =	vst.add.f32.msk $0xffff, v20;
	v20 =	vor.u32 v2, v15  }
0x10f: {  	[tilespmem:s29+$0x590] =	vst.add.f32.msk $0xffff, v21  }
0x110: {  	[tilespmem:s29+$0x490] =	vst.add.f32.msk $0xffff, v22;
	v22 =	vor.u32 v3, v18  }
0x111: {  	v23 =	vld [tilespmem:s29+$0x8420]  }
0x112: {  	v17 =	vadd.f32 v19, v17;
	v19 =	vld.idx.msk [tilespmem:v50+s19+$0x0], $0xffff  }
0x113: {  	v21 =	vor.u32 v2, v11;
	v20 =	vld.idx.msk [tilespmem:v20+s19+$0x0], $0xffff  }
0x114: {  	[tilespmem:s29+$0x520] =	vst.add.f32.msk $0xffff, v17  }
0x115: {  	v17 =	vld.idx.msk [tilespmem:v22+s19+$0x0], $0xffff  }
0x116: {  	v22 =	vld [tilespmem:s29+$0x8530]  }
0x117: {  	v58 =	vld [tilespmem:s29+$0x84C0];
	v19 =	vadd.f32 v51, v19  }
0x118: {  	v21 =	vld.idx.msk [tilespmem:v21+s19+$0x0], $0xffff  }
0x119: {  	v53 =	vor.u32 v4, v18;
	[tilespmem:s29+$0x4A0] =	vst.add.f32.msk $0xffff, v19  }
0x11a: {  	v20 =	vadd.f32 v23, v20;
	v19 =	vld [tilespmem:s29+$0x85A0]  }
0x11b: {  	v60 =	vld [tilespmem:s29+$0x8570];
	v17 =	vadd.f32 v22, v17  }
0x11c: {  	v52 =	vor.u32 v3, v16;
	[tilespmem:s29+$0x420] =	vst.add.f32.msk $0xffff, v20  }
0x11d: {  	[tilespmem:s29+$0x530] =	vst.add.f32.msk $0xffff, v17  }
0x11e: {  	v17 =	vor.u32 v3, v15;
	v23 =	vld.idx.msk [tilespmem:v53+s19+$0x0], $0xffff  }
0x11f: {  	v54 =	vor.u32 v3, v11;
	v19 =	vadd.f32 v19, v21;
	v21 =	vld [tilespmem:s29+$0x8540]  }
0x120: {  	v22 =	vld [tilespmem:s29+$0x8430]  }
0x121: {  	v24 =	vld.idx.msk [tilespmem:v52+s19+$0x0], $0xffff  }
0x122: {  	[tilespmem:s29+$0x5A0] =	vst.add.f32.msk $0xffff, v19;
	v19 =	vor.u32 v5, v18  }
0x123: {  	v17 =	vld.idx.msk [tilespmem:v17+s19+$0x0], $0xffff  }
0x124: {  	v20 =	vld.idx.msk [tilespmem:v54+s19+$0x0], $0xffff;
	v21 =	vadd.f32 v21, v23  }
0x125: {  	v23 =	vld [tilespmem:s29+$0x85B0]  }
0x126: {  	[tilespmem:s29+$0x540] =	vst.add.f32.msk $0xffff, v21  }
0x127: {  	v24 =	vadd.f32 v55, v24;
	v19 =	vld.idx.msk [tilespmem:v19+s19+$0x0], $0xffff  }
0x128: {  	v21 =	vor.u32 v4, v16;
	v17 =	vadd.f32 v22, v17;
	v22 =	vld [tilespmem:s29+$0x8550]  }
0x129: {  	v56 =	vor.u32 v4, v15;
	[tilespmem:s29+$0x4B0] =	vst.add.f32.msk $0xffff, v24  }
0x12a: {  	[tilespmem:s29+$0x430] =	vst.add.f32.msk $0xffff, v17;
	v20 =	vadd.f32 v23, v20  }
0x12b: {  	v17 =	vld [tilespmem:s29+$0x8440];
	v23 =	vor.u32 v6, v18  }
0x12c: {  	[tilespmem:s29+$0x5B0] =	vst.add.f32.msk $0xffff, v20  }
0x12d: {  	v20 =	vld.idx.msk [tilespmem:v21+s19+$0x0], $0xffff;
	v21 =	vor.u32 v4, v11;
	v19 =	vadd.f32 v22, v19  }
0x12e: {  	v22 =	vld.idx.msk [tilespmem:v56+s19+$0x0], $0xffff  }
0x12f: {  	[tilespmem:s29+$0x550] =	vst.add.f32.msk $0xffff, v19  }
0x130: {  	v19 =	vld.idx.msk [tilespmem:v23+s19+$0x0], $0xffff  }
0x131: {  	v23 =	vld [tilespmem:s29+$0x8560]  }
0x132: {  	v57 =	vor.u32 v5, v15;
	v21 =	vld.idx.msk [tilespmem:v21+s19+$0x0], $0xffff;
	v20 =	vadd.f32 v58, v20  }
0x133: {  	v17 =	vadd.f32 v17, v22;
	v22 =	vld [tilespmem:s29+$0x85C0]  }
0x134: {  	[tilespmem:s29+$0x4C0] =	vst.add.f32.msk $0xffff, v20  }
0x135: {  	[tilespmem:s29+$0x440] =	vst.add.f32.msk $0xffff, v17  }
0x136: {  	v59 =	vor.u32 v5, v16;
	v17 =	vld [tilespmem:s29+$0x8450];
	v19 =	vadd.f32 v23, v19  }
0x137: {  	v18 =	vor.u32 v7, v18;
	v23 =	vld.idx.msk [tilespmem:v57+s19+$0x0], $0xffff  }
0x138: {  	[tilespmem:s29+$0x560] =	vst.add.f32.msk $0xffff, v19;
	v19 =	vadd.f32 v22, v21  }
0x139: {  	v21 =	vor.u32 v5, v11;
	v22 =	vld [tilespmem:s29+$0x84D0]  }
0x13a: {  	[tilespmem:s29+$0x5C0] =	vst.add.f32.msk $0xffff, v19  }
0x13b: {  	v20 =	vor.u32 v6, v15;
	v19 =	vld.idx.msk [tilespmem:v59+s19+$0x0], $0xffff  }
0x13c: {  	v18 =	vld.idx.msk [tilespmem:v18+s19+$0x0], $0xffff  }
0x13d: {  	v17 =	vadd.f32 v17, v23;
	v23 =	vld [tilespmem:s29+$0x85D0]  }
0x13e: {  	v21 =	vld.idx.msk [tilespmem:v21+s19+$0x0], $0xffff  }
0x13f: {  	[tilespmem:s29+$0x450] =	vst.add.f32.msk $0xffff, v17  }
0x140: {  	v17 =	vld.idx.msk [tilespmem:v20+s19+$0x0], $0xffff;
	v20 =	vor.u32 v6, v16;
	v19 =	vadd.f32 v22, v19  }
0x141: {  	v22 =	vld [tilespmem:s29+$0x8460]  }
0x142: {  	[tilespmem:s29+$0x4D0] =	vst.add.f32.msk $0xffff, v19  }
0x143: {  	v61 =	vor.u32 v6, v11;
	v19 =	vld [tilespmem:s29+$0x84E0]  }
0x144: {  	v21 =	vadd.f32 v23, v21;
	v23 =	vld [tilespmem:s29+$0x85F0]  }
0x145: {  	v20 =	vld.idx.msk [tilespmem:v20+s19+$0x0], $0xffff  }
0x146: {  	v15 =	vor.u32 v7, v15;
	[tilespmem:s29+$0x5D0] =	vst.add.f32.msk $0xffff, v21  }
0x147: {  	v17 =	vadd.f32 v22, v17;
	v22 =	vld [tilespmem:s29+$0x85E0]  }
0x148: {  	v21 =	vld.idx.msk [tilespmem:v61+s19+$0x0], $0xffff  }
0x149: {  	v16 =	vor.u32 v7, v16;
	[tilespmem:s29+$0x460] =	vst.add.f32.msk $0xffff, v17  }
0x14a: {  	v17 =	vld [tilespmem:s29+$0x8470]  }
0x14b: {  	v11 =	vor.u32 v7, v11;
	v15 =	vld.idx.msk [tilespmem:v15+s19+$0x0], $0xffff;
	v19 =	vadd.f32 v19, v20  }
0x14c: {  	v20 =	vld [tilespmem:s29+$0x84F0]  }
0x14d: {  	v21 =	vadd.f32 v22, v21;
	[tilespmem:s29+$0x4E0] =	vst.add.f32.msk $0xffff, v19  }
0x14e: {  	v16 =	vld.idx.msk [tilespmem:v16+s19+$0x0], $0xffff  }
0x14f: {  	v13 =	vadd.f32 v14, v13;
	[tilespmem:s29+$0x5E0] =	vst.add.f32.msk $0xffff, v21  }
0x150: {  	s30 =	simm.s32 $0x40;
	v9 =	vadd.f32 v12, v9;
	v11 =	vld.idx.msk [tilespmem:v11+s19+$0x0], $0xffff  }
0x151: {  	[tilespmem:s28+$0x470] =	vst.add.f32.msk $0xffff, v13;
	v8 =	vadd.f32 v10, v8;
	v10 =	vmov s30  }
0x152: {  	[tilespmem:s28+$0x4F0] =	vst.add.f32.msk $0xffff, v9;
	s30 =	simm.s32 $0x41;
	v10 =	vand.u32 $0xFFFFFFFC, v10;
	v9 =	vadd.f32 v60, v18  }
0x153: {  	v13 =	vmov s30;
	[tilespmem:s28+$0x5F0] =	vst.add.f32.msk $0xffff, v8;
	s28 =	simm.s32 $0x43;
	v10 =	vbroadcast v10, $0x0;
	v12 =	vadd.f32 v17, v15  }
0x154: {  	s30 =	simm.s32 $0x42;
	v13 =	vand.u32 $0xFFFFFFFD, v13;
	[tilespmem:s29+$0x570] =	vst.add.f32.msk $0xffff, v9;
	v9 =	vmov s28;
	v8 =	vadd.f32 v20, v16  }
0x155: {  	v14 =	vmov s30;
	[tilespmem:s29+$0x470] =	vst.add.f32.msk $0xffff, v12;
	v12 =	vbroadcast v13, $0x0;
	v11 =	vadd.f32 v23, v11  }
0x156: {  	v13 =	vand.u32 $0xFFFFFFFE, v14;
	[tilespmem:s29+$0x4F0] =	vst.add.f32.msk $0xffff, v8  }
0x157: {  	v8 =	vbroadcast v13, $0x0;
	[tilespmem:s29+$0x5F0] =	vst.add.f32.msk $0xffff, v11;
	s29 =	simm.s32 $0x0  }
0x158: {  	[hbm4b:s8+s29] =	stream.linear.scatter [tilespmem:s15], [sflag:$0x4], $0x2000, $0x38;
	[tilespmem:$0x10400] =	vst v63  }
0x159: {  	v9 =	vld.idx.msk [tilespmem:v9+s18+$0x0], $0xffff  }
0x15a: {  	s28 =	simm.s32 $0x44;
	v10 =	vld.idx.msk [tilespmem:v10+s18+$0x0], $0xffff  }
0x15b: {  	v11 =	vmov s28;
	v12 =	vld.idx.msk [tilespmem:v12+s18+$0x0], $0xffff  }
0x15c: {  	s28 =	simm.s32 $0x47;
	v11 =	vand.u32 $0xFFFFFFFC, v11  }
0x15d: {  	v15 =	vmov s28;
	v14 =	vbroadcast v11, $0x0;
	v13 =	vld.idx.msk [tilespmem:v8+s18+$0x0], $0xffff  }
0x15e: {  	v8 =	vshll.u32 v9, $0x7  }
0x15f: {  	v11 =	vshll.u32 v10, $0x7;
	v16 =	vor.u32 v0, v8  }
0x160: {  	v12 =	vshll.u32 v12, $0x7;
	v17 =	vor.u32 v0, v11  }
0x161: {  	v18 =	vor.u32 v0, v12  }
0x162: {  	v9 =	vld.idx.msk [tilespmem:v15+s18+$0x0], $0xffff;
	v13 =	vshll.u32 v13, $0x7  }
0x163: {  	v10 =	vld.idx.msk [tilespmem:v14+s18+$0x0], $0xffff;
	v15 =	vor.u32 v0, v13  }
0x164: {  	v14 =	vld.idx.msk [tilespmem:v16+s19+$0x0], $0xffff  }
0x165: {  	v16 =	vld.idx.msk [tilespmem:v17+s19+$0x0], $0xffff  }
0x166: {  	s28 =	simm.s32 $0x0;
	v17 =	vld.idx.msk [tilespmem:v18+s19+$0x0], $0xffff  }
0x167: {  	v18 =	vld [tilespmem:s28+$0xA500]  }
0x168: {  	v15 =	vld.idx.msk [tilespmem:v15+s19+$0x0], $0xffff  }
0x169: {  	v19 =	vld [tilespmem:s28+$0xA400]  }
0x16a: {  	v20 =	vld [tilespmem:s28+$0xA480]  }
0x16b: {  	v22 =	vld [tilespmem:s28+$0xA580];
	v21 =	vor.u32 v1, v13  }
0x16c: {  	v23 =	vld [tilespmem:s28+$0xA410]  }
0x16d: {  	v62 =	vld [tilespmem:s28+$0xA490];
	v15 =	vadd.f32 v18, v15  }
0x16e: {  	v18 =	vld [tilespmem:s28+$0xA590]  }
0x16f: {  	[tilespmem:s28+$0x2500] =	vst.add.f32.msk $0xffff, v15  }
0x170: {  	v15 =	vadd.f32 v19, v16;
	v16 =	vor.u32 v1, v11;
	v19 =	vld.idx.msk [tilespmem:v21+s19+$0x0], $0xffff  }
0x171: {  	v17 =	vadd.f32 v20, v17;
	v20 =	vor.u32 v1, v12;
	v21 =	vld [tilespmem:s28+$0xA510]  }
0x172: {  	v14 =	vadd.f32 v22, v14;
	[tilespmem:s28+$0x2400] =	vst.add.f32.msk $0xffff, v15;
	v15 =	vor.u32 v1, v8  }
0x173: {  	[tilespmem:s28+$0x2480] =	vst.add.f32.msk $0xffff, v17  }
0x174: {  	[tilespmem:s28+$0x2580] =	vst.add.f32.msk $0xffff, v14  }
0x175: {  	v17 =	vor.u32 v2, v13;
	v14 =	vld.idx.msk [tilespmem:v16+s19+$0x0], $0xffff  }
0x176: {  	v16 =	vld.idx.msk [tilespmem:v20+s19+$0x0], $0xffff;
	v19 =	vadd.f32 v21, v19  }
0x177: {  	v15 =	vld.idx.msk [tilespmem:v15+s19+$0x0], $0xffff  }
0x178: {  	[tilespmem:s28+$0x2510] =	vst.add.f32.msk $0xffff, v19  }
0x179: {  	v19 =	vld [tilespmem:s28+$0xA520]  }
0x17a: {  	v17 =	vld.idx.msk [tilespmem:v17+s19+$0x0], $0xffff  }
0x17b: {  	v22 =	vld [tilespmem:s28+$0xA4A0];
	v20 =	vor.u32 v2, v11;
	v14 =	vadd.f32 v23, v14  }
0x17c: {  	v21 =	vld [tilespmem:s28+$0xA420];
	v16 =	vadd.f32 v62, v16  }
0x17d: {  	[tilespmem:s28+$0x2410] =	vst.add.f32.msk $0xffff, v14;
	v15 =	vadd.f32 v18, v15  }
0x17e: {  	v14 =	vor.u32 v3, v13;
	[tilespmem:s28+$0x2490] =	vst.add.f32.msk $0xffff, v16  }
0x17f: {  	v17 =	vadd.f32 v19, v17;
	[tilespmem:s28+$0x2590] =	vst.add.f32.msk $0xffff, v15  }
0x180: {  	v18 =	vor.u32 v2, v8;
	v15 =	vld.idx.msk [tilespmem:v20+s19+$0x0], $0xffff  }
0x181: {  	[tilespmem:s28+$0x2520] =	vst.add.f32.msk $0xffff, v17  }
0x182: {  	v16 =	vor.u32 v2, v12;
	v17 =	vld [tilespmem:s28+$0xA530]  }
0x183: {  	v14 =	vld.idx.msk [tilespmem:v14+s19+$0x0], $0xffff  }
0x184: {  	v23 =	vld [tilespmem:s28+$0xA430];
	v19 =	vor.u32 v3, v11  }
0x185: {  	v18 =	vld.idx.msk [tilespmem:v18+s19+$0x0], $0xffff  }
0x186: {  	v15 =	vadd.f32 v21, v15;
	v21 =	vld [tilespmem:s28+$0xA5A0]  }
0x187: {  	v20 =	vor.u32 v4, v13;
	v16 =	vld.idx.msk [tilespmem:v16+s19+$0x0], $0xffff  }
0x188: {  	[tilespmem:s28+$0x2420] =	vst.add.f32.msk $0xffff, v15;
	v14 =	vadd.f32 v17, v14  }
0x189: {  	v15 =	vld.idx.msk [tilespmem:v19+s19+$0x0], $0xffff  }
0x18a: {  	[tilespmem:s28+$0x2530] =	vst.add.f32.msk $0xffff, v14  }
0x18b: {  	v17 =	vor.u32 v3, v12;
	v18 =	vadd.f32 v21, v18;
	v21 =	vld [tilespmem:s28+$0xA5B0]  }
0x18c: {  	v19 =	vor.u32 v3, v8;
	v14 =	vadd.f32 v22, v16;
	v16 =	vld.idx.msk [tilespmem:v20+s19+$0x0], $0xffff  }
0x18d: {  	v20 =	vld [tilespmem:s28+$0xA540]  }
0x18e: {  	[tilespmem:s28+$0x24A0] =	vst.add.f32.msk $0xffff, v14  }
0x18f: {  	[tilespmem:s28+$0x25A0] =	vst.add.f32.msk $0xffff, v18  }
0x190: {  	v14 =	vld.idx.msk [tilespmem:v17+s19+$0x0], $0xffff;
	v17 =	vor.u32 v5, v13  }
0x191: {  	v18 =	vld.idx.msk [tilespmem:v19+s19+$0x0], $0xffff  }
0x192: {  	v19 =	vld [tilespmem:s28+$0xA4B0];
	v16 =	vadd.f32 v20, v16  }
0x193: {  	v22 =	vld [tilespmem:s28+$0xA550]  }
0x194: {  	[tilespmem:s28+$0x2540] =	vst.add.f32.msk $0xffff, v16  }
0x195: {  	v15 =	vadd.f32 v23, v15;
	v16 =	vld.idx.msk [tilespmem:v17+s19+$0x0], $0xffff;
	_ =	sdelay $0x1  }
0x196: {  	[tilespmem:s28+$0x2430] =	vst.add.f32.msk $0xffff, v15;
	v14 =	vadd.f32 v19, v14  }
0x197: {  	v18 =	vadd.f32 v21, v18;
	v21 =	vld [tilespmem:s28+$0xA5C0]  }
0x198: {  	[tilespmem:s28+$0x24B0] =	vst.add.f32.msk $0xffff, v14;
	v14 =	vor.u32 v6, v13  }
0x199: {  	v15 =	vor.u32 v4, v8;
	[tilespmem:s28+$0x25B0] =	vst.add.f32.msk $0xffff, v18;
	v16 =	vadd.f32 v22, v16  }
0x19a: {  	v20 =	vor.u32 v4, v11;
	v18 =	vld [tilespmem:s28+$0xA440]  }
0x19b: {  	[tilespmem:s28+$0x2550] =	vst.add.f32.msk $0xffff, v16  }
0x19c: {  	v17 =	vor.u32 v4, v12;
	v16 =	vld [tilespmem:s28+$0xA560]  }
0x19d: {  	v14 =	vld.idx.msk [tilespmem:v14+s19+$0x0], $0xffff  }
0x19e: {  	v15 =	vld.idx.msk [tilespmem:v15+s19+$0x0], $0xffff  }
0x19f: {  	v19 =	vld.idx.msk [tilespmem:v20+s19+$0x0], $0xffff  }
0x1a0: {  	v20 =	vld [tilespmem:s28+$0xA4C0]  }
0x1a1: {  	v17 =	vld.idx.msk [tilespmem:v17+s19+$0x0], $0xffff  }
0x1a2: {  	v13 =	vor.u32 v7, v13;
	v14 =	vadd.f32 v16, v14  }
0x1a3: {  	v22 =	vld [tilespmem:s28+$0xA450];
	v15 =	vadd.f32 v21, v15  }
0x1a4: {  	[tilespmem:s28+$0x2560] =	vst.add.f32.msk $0xffff, v14;
	v14 =	vadd.f32 v18, v19;
	v18 =	vor.u32 v5, v11  }
0x1a5: {  	[tilespmem:s28+$0x25C0] =	vst.add.f32.msk $0xffff, v15  }
0x1a6: {  	v17 =	vadd.f32 v20, v17;
	v20 =	vld [tilespmem:s28+$0xA570]  }
0x1a7: {  	v13 =	vld.idx.msk [tilespmem:v13+s19+$0x0], $0xffff  }
0x1a8: {  	[tilespmem:s28+$0x2440] =	vst.add.f32.msk $0xffff, v14;
	v14 =	vor.u32 v5, v8  }
0x1a9: {  	v15 =	vld.idx.msk [tilespmem:v18+s19+$0x0], $0xffff  }
0x1aa: {  	v63 =	vld [tilespmem:s28+$0xA460];
	v19 =	vor.u32 v5, v12  }
0x1ab: {  	v23 =	vld [tilespmem:s28+$0xA4D0]  }
0x1ac: {  	v16 =	vld [tilespmem:s28+$0xA5D0]  }
0x1ad: {  	v14 =	vld.idx.msk [tilespmem:v14+s19+$0x0], $0xffff  }
0x1ae: {  	[tilespmem:s28+$0x24C0] =	vst.add.f32.msk $0xffff, v17;
	v13 =	vadd.f32 v20, v13;
	v20 =	vor.u32 v6, v11;
	v15 =	vadd.f32 v22, v15  }
0x1af: {  	v17 =	vld.idx.msk [tilespmem:v19+s19+$0x0], $0xffff  }
0x1b0: {  	[tilespmem:s28+$0x2450] =	vst.add.f32.msk $0xffff, v15;
	v15 =	vor.u32 v6, v8  }
0x1b1: {  	v19 =	vld [tilespmem:s28+$0xA4E0]  }
0x1b2: {  	v21 =	vor.u32 v6, v12;
	v18 =	vld [tilespmem:s28+$0xA5E0];
	v14 =	vadd.f32 v16, v14  }
0x1b3: {  	s30 =	simm.s32 $0x45;
	v16 =	vld.idx.msk [tilespmem:v20+s19+$0x0], $0xffff  }
0x1b4: {  	v17 =	vadd.f32 v23, v17;
	[tilespmem:s28+$0x25D0] =	vst.add.f32.msk $0xffff, v14;
	v14 =	vmov s30  }
0x1b5: {  	s0 =	simm.s32 $0x46;
	v20 =	vld.idx.msk [tilespmem:v15+s19+$0x0], $0xffff;
	v15 =	vand.u32 $0xFFFFFFFD, v14  }
0x1b6: {  	[tilespmem:s28+$0x24D0] =	vst.add.f32.msk $0xffff, v17;
	v17 =	vmov s0;
	v23 =	vbroadcast v15, $0x0  }
0x1b7: {  	v21 =	vld.idx.msk [tilespmem:v21+s19+$0x0], $0xffff;
	v17 =	vand.u32 $0xFFFFFFFE, v17  }
0x1b8: {  	[tilespmem:s28+$0x2570] =	vst.add.f32.msk $0xffff, v13;
	v22 =	vbroadcast v17, $0x0  }
0x1b9: {  	v13 =	vld [tilespmem:s28+$0xA470]  }
0x1ba: {  	v14 =	vld [tilespmem:s28+$0xA4F0]  }
0x1bb: {  	s30 =	simm.s32 $0x4;
	v15 =	vld [tilespmem:s28+$0xA5F0];
	v16 =	vadd.f32 v63, v16  }
.LBB2_4:
0x1bc: {  	s31 =	sadd.s32 $0x44, s30;
	v17 =	vld.idx.msk [tilespmem:v23+s18+$0x0], $0xffff;
	v23 =	vor.u32 v7, v11;
	v11 =	vadd.f32 v19, v21  }
0x1bd: {  	v19 =	vmov s31;
	[tilespmem:s28+$0x2460] =	vst.add.f32.msk $0xffff, v16;
	v16 =	vor.u32 v7, v12;
	v12 =	vadd.f32 v18, v20  }
0x1be: {  	s31 =	sadd.s32 $0x47, s30;
	v20 =	vor.u32 v7, v8;
	v18 =	vand.u32 $0xFFFFFFFC, v19;
	v19 =	vld.idx.msk [tilespmem:v22+s18+$0x0], $0xffff  }
0x1bf: {  	v21 =	vbroadcast v18, $0x0;
	v18 =	vmov s31;
	[tilespmem:s28+$0x24E0] =	vst.add.f32.msk $0xffff, v11  }
0x1c0: {  	v8 =	vshll.u32 v9, $0x7;
	[tilespmem:s28+$0x25E0] =	vst.add.f32.msk $0xffff, v12  }
0x1c1: {  	v22 =	vor.u32 v0, v8;
	v11 =	vshll.u32 v10, $0x7;
	v23 =	vld.idx.msk [tilespmem:v23+s19+$0x0], $0xffff  }
0x1c2: {  	v24 =	vor.u32 v0, v11;
	v12 =	vshll.u32 v17, $0x7;
	v16 =	vld.idx.msk [tilespmem:v16+s19+$0x0], $0xffff  }
0x1c3: {  	v17 =	vor.u32 v0, v12;
	v20 =	vld.idx.msk [tilespmem:v20+s19+$0x0], $0xffff  }
0x1c4: {  	v9 =	vld.idx.msk [tilespmem:v18+s18+$0x0], $0xffff;
	v18 =	vshll.u32 v19, $0x7  }
0x1c5: {  	v10 =	vld.idx.msk [tilespmem:v21+s18+$0x0], $0xffff;
	v19 =	vor.u32 v0, v18  }
0x1c6: {  	v21 =	vld.idx.msk [tilespmem:v22+s19+$0x0], $0xffff  }
0x1c7: {  	v13 =	vadd.f32 v13, v23;
	v22 =	vld.idx.msk [tilespmem:v24+s19+$0x0], $0xffff  }
0x1c8: {  	v16 =	vadd.f32 v14, v16;
	v23 =	vld.idx.msk [tilespmem:v17+s19+$0x0], $0xffff  }
0x1c9: {  	s29 =	sadd.s32 $0x800, s29;
	v17 =	vadd.f32 v15, v20;
	[tilespmem:s28+$0x2470] =	vst.add.f32.msk $0xffff, v13  }
0x1ca: {  	s31 =	sshra.s32 s29, $0x2;
	v13 =	vld.idx.msk [tilespmem:v19+s19+$0x0], $0xffff  }
0x1cb: {  	v14 =	vld [tilespmem:s31+$0xA500]  }
0x1cc: {  	v15 =	vld [tilespmem:s31+$0xA400]  }
0x1cd: {  	v19 =	vld [tilespmem:s31+$0xA480]  }
0x1ce: {  	v20 =	vor.u32 v1, v18;
	v24 =	vld [tilespmem:s31+$0xA580]  }
0x1cf: {  	v25 =	vld [tilespmem:s31+$0xA410]  }
0x1d0: {  	v26 =	vld [tilespmem:s31+$0xA490];
	v13 =	vadd.f32 v14, v13  }
0x1d1: {  	v14 =	vadd.f32 v15, v22;
	v15 =	vld [tilespmem:s31+$0xA590]  }
0x1d2: {  	v19 =	vadd.f32 v19, v23;
	[tilespmem:s31+$0x2500] =	vst.add.f32.msk $0xffff, v13  }
0x1d3: {  	v13 =	vor.u32 v1, v11;
	v20 =	vld.idx.msk [tilespmem:v20+s19+$0x0], $0xffff;
	v21 =	vadd.f32 v24, v21  }
0x1d4: {  	v22 =	vor.u32 v1, v12;
	v23 =	vld [tilespmem:s31+$0xA510]  }
0x1d5: {  	[tilespmem:s31+$0x2400] =	vst.add.f32.msk $0xffff, v14;
	v14 =	vor.u32 v1, v8  }
0x1d6: {  	[tilespmem:s31+$0x2480] =	vst.add.f32.msk $0xffff, v19  }
0x1d7: {  	v19 =	vor.u32 v2, v18;
	[tilespmem:s31+$0x2580] =	vst.add.f32.msk $0xffff, v21  }
0x1d8: {  	v13 =	vld.idx.msk [tilespmem:v13+s19+$0x0], $0xffff  }
0x1d9: {  	v21 =	vld.idx.msk [tilespmem:v22+s19+$0x0], $0xffff;
	v20 =	vadd.f32 v23, v20  }
0x1da: {  	v14 =	vld.idx.msk [tilespmem:v14+s19+$0x0], $0xffff  }
0x1db: {  	[tilespmem:s31+$0x2510] =	vst.add.f32.msk $0xffff, v20  }
0x1dc: {  	v19 =	vld.idx.msk [tilespmem:v19+s19+$0x0], $0xffff  }
0x1dd: {  	v20 =	vld [tilespmem:s31+$0xA520]  }
0x1de: {  	v22 =	vor.u32 v2, v11;
	v13 =	vadd.f32 v25, v13;
	v23 =	vld [tilespmem:s31+$0xA420]  }
0x1df: {  	v21 =	vadd.f32 v26, v21;
	v24 =	vld [tilespmem:s31+$0xA4A0]  }
0x1e0: {  	v14 =	vadd.f32 v15, v14;
	[tilespmem:s31+$0x2410] =	vst.add.f32.msk $0xffff, v13;
	v13 =	vor.u32 v3, v18  }
0x1e1: {  	[tilespmem:s31+$0x2490] =	vst.add.f32.msk $0xffff, v21  }
0x1e2: {  	v15 =	vor.u32 v2, v12;
	v19 =	vadd.f32 v20, v19;
	[tilespmem:s31+$0x2590] =	vst.add.f32.msk $0xffff, v14  }
0x1e3: {  	v20 =	vor.u32 v2, v8;
	v14 =	vld.idx.msk [tilespmem:v22+s19+$0x0], $0xffff  }
0x1e4: {  	[tilespmem:s31+$0x2520] =	vst.add.f32.msk $0xffff, v19  }
0x1e5: {  	v13 =	vld.idx.msk [tilespmem:v13+s19+$0x0], $0xffff  }
0x1e6: {  	v19 =	vld [tilespmem:s31+$0xA530]  }
0x1e7: {  	v21 =	vor.u32 v3, v11;
	v15 =	vld.idx.msk [tilespmem:v15+s19+$0x0], $0xffff  }
0x1e8: {  	v20 =	vld.idx.msk [tilespmem:v20+s19+$0x0], $0xffff  }
0x1e9: {  	v22 =	vor.u32 v4, v18;
	v14 =	vadd.f32 v23, v14;
	v23 =	vld [tilespmem:s31+$0xA5A0]  }
0x1ea: {  	v25 =	vld [tilespmem:s31+$0xA430]  }
0x1eb: {  	[tilespmem:s31+$0x2420] =	vst.add.f32.msk $0xffff, v14;
	v13 =	vadd.f32 v19, v13  }
0x1ec: {  	v14 =	vld.idx.msk [tilespmem:v21+s19+$0x0], $0xffff  }
0x1ed: {  	v19 =	vor.u32 v3, v12;
	v15 =	vadd.f32 v24, v15;
	[tilespmem:s31+$0x2530] =	vst.add.f32.msk $0xffff, v13  }
0x1ee: {  	v21 =	vor.u32 v3, v8;
	v13 =	vld.idx.msk [tilespmem:v22+s19+$0x0], $0xffff;
	v20 =	vadd.f32 v23, v20  }
0x1ef: {  	v22 =	vld [tilespmem:s31+$0xA540]  }
0x1f0: {  	[tilespmem:s31+$0x24A0] =	vst.add.f32.msk $0xffff, v15  }
0x1f1: {  	[tilespmem:s31+$0x25A0] =	vst.add.f32.msk $0xffff, v20  }
0x1f2: {  	v14 =	vadd.f32 v25, v14;
	v15 =	vld.idx.msk [tilespmem:v19+s19+$0x0], $0xffff;
	v19 =	vor.u32 v5, v18  }
0x1f3: {  	v20 =	vld.idx.msk [tilespmem:v21+s19+$0x0], $0xffff  }
0x1f4: {  	v21 =	vld [tilespmem:s31+$0xA4B0];
	v13 =	vadd.f32 v22, v13  }
0x1f5: {  	v22 =	vor.u32 v4, v11;
	v23 =	vld [tilespmem:s31+$0xA5B0]  }
0x1f6: {  	[tilespmem:s31+$0x2540] =	vst.add.f32.msk $0xffff, v13  }
0x1f7: {  	v13 =	vld.idx.msk [tilespmem:v19+s19+$0x0], $0xffff  }
0x1f8: {  	v19 =	vor.u32 v4, v12;
	v24 =	vld [tilespmem:s31+$0xA550]  }
0x1f9: {  	[tilespmem:s31+$0x2430] =	vst.add.f32.msk $0xffff, v14;
	v14 =	vadd.f32 v21, v15;
	v15 =	vor.u32 v4, v8  }
0x1fa: {  	v21 =	vld.idx.msk [tilespmem:v22+s19+$0x0], $0xffff;
	v20 =	vadd.f32 v23, v20  }
0x1fb: {  	[tilespmem:s31+$0x24B0] =	vst.add.f32.msk $0xffff, v14;
	v14 =	vor.u32 v6, v18  }
0x1fc: {  	[tilespmem:s31+$0x25B0] =	vst.add.f32.msk $0xffff, v20  }
0x1fd: {  	v19 =	vld.idx.msk [tilespmem:v19+s19+$0x0], $0xffff;
	v13 =	vadd.f32 v24, v13  }
0x1fe: {  	v15 =	vld.idx.msk [tilespmem:v15+s19+$0x0], $0xffff  }
0x1ff: {  	[tilespmem:s31+$0x2550] =	vst.add.f32.msk $0xffff, v13  }
0x200: {  	v13 =	vld.idx.msk [tilespmem:v14+s19+$0x0], $0xffff  }
0x201: {  	v14 =	vld [tilespmem:s31+$0xA560]  }
0x202: {  	v20 =	vld [tilespmem:s31+$0xA440]  }
0x203: {  	v22 =	vld [tilespmem:s31+$0xA4C0]  }
0x204: {  	v18 =	vor.u32 v7, v18;
	v23 =	vld [tilespmem:s31+$0xA5C0]  }
0x205: {  	v24 =	vld [tilespmem:s31+$0xA450]  }
0x206: {  	v25 =	vld [tilespmem:s31+$0xA4D0];
	v13 =	vadd.f32 v14, v13  }
0x207: {  	v14 =	vadd.f32 v20, v21;
	v20 =	vld [tilespmem:s31+$0xA5D0]  }
0x208: {  	v19 =	vadd.f32 v22, v19;
	[tilespmem:s31+$0x2560] =	vst.add.f32.msk $0xffff, v13  }
0x209: {  	v13 =	vor.u32 v5, v11;
	v18 =	vld.idx.msk [tilespmem:v18+s19+$0x0], $0xffff;
	v15 =	vadd.f32 v23, v15  }
0x20a: {  	v21 =	vor.u32 v5, v12;
	v22 =	vld [tilespmem:s31+$0xA570]  }
0x20b: {  	[tilespmem:s31+$0x2440] =	vst.add.f32.msk $0xffff, v14;
	v14 =	vor.u32 v5, v8  }
0x20c: {  	[tilespmem:s31+$0x24C0] =	vst.add.f32.msk $0xffff, v19  }
0x20d: {  	[tilespmem:s31+$0x25C0] =	vst.add.f32.msk $0xffff, v15  }
0x20e: {  	v13 =	vld.idx.msk [tilespmem:v13+s19+$0x0], $0xffff  }
0x20f: {  	v15 =	vld.idx.msk [tilespmem:v21+s19+$0x0], $0xffff;
	v18 =	vadd.f32 v22, v18  }
0x210: {  	v14 =	vld.idx.msk [tilespmem:v14+s19+$0x0], $0xffff  }
0x211: {  	[tilespmem:s31+$0x2570] =	vst.add.f32.msk $0xffff, v18  }
0x212: {  	v26 =	vld [tilespmem:s31+$0xA460]  }
0x213: {  	v19 =	vld [tilespmem:s31+$0xA4E0]  }
0x214: {  	v22 =	vor.u32 v6, v11;
	v21 =	vadd.f32 v24, v13;
	v18 =	vld [tilespmem:s31+$0xA5E0]  }
0x215: {  	v24 =	vor.u32 v6, v12;
	v15 =	vadd.f32 v25, v15;
	v13 =	vld [tilespmem:s31+$0xA470]  }
0x216: {  	v14 =	vadd.f32 v20, v14;
	v20 =	vor.u32 v6, v8;
	[tilespmem:s31+$0x2450] =	vst.add.f32.msk $0xffff, v21  }
0x217: {  	s0 =	sadd.s32 $0x45, s30;
	[tilespmem:s31+$0x24D0] =	vst.add.f32.msk $0xffff, v15  }
0x218: {  	v15 =	vmov s0;
	[tilespmem:s31+$0x25D0] =	vst.add.f32.msk $0xffff, v14  }
0x219: {  	s0 =	sadd.s32 $0x46, s30;
	s30 =	sadd.s32 $0x4, s30;
	v14 =	vand.u32 $0xFFFFFFFD, v15;
	v25 =	vld.idx.msk [tilespmem:v22+s19+$0x0], $0xffff  }
0x21a: {  	p0 =	slt.u32 s30, $0x3C;
	v23 =	vbroadcast v14, $0x0;
	v14 =	vmov s0;
	v21 =	vld.idx.msk [tilespmem:v24+s19+$0x0], $0xffff  }
.Ltmp1:
0x21b: {  	v14 =	vand.u32 $0xFFFFFFFE, v14;
	v20 =	vld.idx.msk [tilespmem:v20+s19+$0x0], $0xffff;
	(pc) =	sbr.rel @p0 .LBB2_4-.Ltmp1, $4  }
0x21c: {  	v22 =	vbroadcast v14, $0x0;
	v14 =	vld [tilespmem:s31+$0xA4F0]  }
0x21d: {  	v15 =	vld [tilespmem:s31+$0xA5F0]  }
0x21e: {  	[tilespmem:s28+$0x24F0] =	vst.add.f32.msk $0xffff, v16  }
0x21f: {  	v16 =	vadd.f32 v26, v25;
	[tilespmem:s28+$0x25F0] =	vst.add.f32.msk $0xffff, v17;
	s28 =	smov.u32 s31  }
0x220: {  	_ =	sdelay $0x3  }
0x221: {  	v17 =	vld.idx.msk [tilespmem:v23+s18+$0x0], $0xffff  }
0x222: {  	v22 =	vld.idx.msk [tilespmem:v22+s18+$0x0], $0xffff;
	v19 =	vadd.f32 v19, v21  }
0x223: {  	s0 =	sadd.s32 $0x800, s29;
	[tilespmem:s28+$0x2460] =	vst.add.f32.msk $0xffff, v16  }
0x224: {  	s29 =	sshra.s32 s0, $0x2;
	[tilespmem:s28+$0x24E0] =	vst.add.f32.msk $0xffff, v19  }
0x225: {  	v23 =	vld [tilespmem:s29+$0xA400]  }
0x226: {  	v21 =	vor.u32 v7, v12;
	v24 =	vld [tilespmem:s29+$0xA480]  }
0x227: {  	v26 =	vld [tilespmem:s29+$0xA580]  }
0x228: {  	v16 =	vadd.f32 v18, v20;
	v18 =	vor.u32 v7, v8;
	v8 =	vshll.u32 v9, $0x7;
	v27 =	vld [tilespmem:s29+$0xA410]  }
0x229: {  	v12 =	vshll.u32 v10, $0x7;
	v19 =	vor.u32 v0, v8;
	v28 =	vld [tilespmem:s29+$0xA490]  }
0x22a: {  	v20 =	vor.u32 v0, v12;
	v44 =	vld [tilespmem:s29+$0xA510];
	v22 =	vshll.u32 v22, $0x7  }
0x22b: {  	v9 =	vld.idx.msk [tilespmem:v21+s19+$0x0], $0xffff;
	v21 =	vor.u32 v0, v22  }
0x22c: {  	[tilespmem:s28+$0x25E0] =	vst.add.f32.msk $0xffff, v16  }
0x22d: {  	v10 =	vld.idx.msk [tilespmem:v18+s19+$0x0], $0xffff  }
0x22e: {  	v18 =	vld.idx.msk [tilespmem:v19+s19+$0x0], $0xffff  }
0x22f: {  	v19 =	vld.idx.msk [tilespmem:v20+s19+$0x0], $0xffff  }
0x230: {  	v16 =	vshll.u32 v17, $0x7;
	v20 =	vld.idx.msk [tilespmem:v21+s19+$0x0], $0xffff  }
0x231: {  	v17 =	vor.u32 v0, v16;
	v21 =	vld [tilespmem:s29+$0xA500]  }
0x232: {  	v46 =	vld [tilespmem:s29+$0xA420]  }
0x233: {  	v47 =	vld [tilespmem:s29+$0xA4A0]  }
0x234: {  	v49 =	vld [tilespmem:s29+$0xA5A0];
	v25 =	vor.u32 v1, v22  }
0x235: {  	v50 =	vld [tilespmem:s29+$0xA430];
	v19 =	vadd.f32 v23, v19  }
0x236: {  	v17 =	vld.idx.msk [tilespmem:v17+s19+$0x0], $0xffff;
	v20 =	vadd.f32 v21, v20  }
0x237: {  	[tilespmem:s29+$0x2400] =	vst.add.f32.msk $0xffff, v19;
	v19 =	vor.u32 v1, v8  }
0x238: {  	v18 =	vadd.f32 v26, v18;
	[tilespmem:s29+$0x2500] =	vst.add.f32.msk $0xffff, v20  }
0x239: {  	v20 =	vor.u32 v1, v12;
	v23 =	vld.idx.msk [tilespmem:v25+s19+$0x0], $0xffff  }
0x23a: {  	v43 =	vor.u32 v1, v16;
	[tilespmem:s29+$0x2580] =	vst.add.f32.msk $0xffff, v18  }
0x23b: {  	v21 =	vld [tilespmem:s29+$0xA590];
	v17 =	vadd.f32 v24, v17  }
0x23c: {  	v19 =	vld.idx.msk [tilespmem:v19+s19+$0x0], $0xffff  }
0x23d: {  	[tilespmem:s29+$0x2480] =	vst.add.f32.msk $0xffff, v17;
	v17 =	vor.u32 v2, v22  }
0x23e: {  	v18 =	vld.idx.msk [tilespmem:v20+s19+$0x0], $0xffff;
	v23 =	vadd.f32 v44, v23  }
0x23f: {  	v20 =	vld.idx.msk [tilespmem:v43+s19+$0x0], $0xffff  }
0x240: {  	[tilespmem:s29+$0x2510] =	vst.add.f32.msk $0xffff, v23  }
0x241: {  	v19 =	vadd.f32 v21, v19;
	v21 =	vor.u32 v2, v8;
	v23 =	vld [tilespmem:s29+$0xA520]  }
0x242: {  	v17 =	vld.idx.msk [tilespmem:v17+s19+$0x0], $0xffff  }
0x243: {  	v45 =	vor.u32 v2, v12;
	v51 =	vld [tilespmem:s29+$0xA540];
	v18 =	vadd.f32 v27, v18  }
0x244: {  	[tilespmem:s29+$0x2590] =	vst.add.f32.msk $0xffff, v19  }
0x245: {  	v20 =	vadd.f32 v28, v20;
	[tilespmem:s29+$0x2410] =	vst.add.f32.msk $0xffff, v18;
	v18 =	vor.u32 v3, v22  }
0x246: {  	v21 =	vld.idx.msk [tilespmem:v21+s19+$0x0], $0xffff  }
0x247: {  	[tilespmem:s29+$0x2490] =	vst.add.f32.msk $0xffff, v20;
	v17 =	vadd.f32 v23, v17  }
0x248: {  	v20 =	vor.u32 v2, v16;
	v19 =	vld.idx.msk [tilespmem:v45+s19+$0x0], $0xffff  }
0x249: {  	[tilespmem:s29+$0x2520] =	vst.add.f32.msk $0xffff, v17  }
0x24a: {  	v17 =	vld.idx.msk [tilespmem:v18+s19+$0x0], $0xffff  }
0x24b: {  	v18 =	vld [tilespmem:s29+$0xA530]  }
0x24c: {  	v53 =	vld [tilespmem:s29+$0xA5B0];
	v23 =	vor.u32 v3, v12  }
0x24d: {  	v21 =	vadd.f32 v49, v21;
	v20 =	vld.idx.msk [tilespmem:v20+s19+$0x0], $0xffff  }
0x24e: {  	v54 =	vld [tilespmem:s29+$0xA550];
	v48 =	vor.u32 v4, v22;
	v19 =	vadd.f32 v46, v19  }
0x24f: {  	[tilespmem:s29+$0x25A0] =	vst.add.f32.msk $0xffff, v21  }
0x250: {  	[tilespmem:s29+$0x2420] =	vst.add.f32.msk $0xffff, v19;
	v19 =	vor.u32 v3, v16;
	v17 =	vadd.f32 v18, v17  }
0x251: {  	v18 =	vld.idx.msk [tilespmem:v23+s19+$0x0], $0xffff;
	v23 =	vor.u32 v3, v8  }
0x252: {  	[tilespmem:s29+$0x2530] =	vst.add.f32.msk $0xffff, v17;
	v17 =	vadd.f32 v47, v20  }
0x253: {  	v20 =	vld.idx.msk [tilespmem:v48+s19+$0x0], $0xffff  }
0x254: {  	[tilespmem:s29+$0x24A0] =	vst.add.f32.msk $0xffff, v17  }
0x255: {  	v17 =	vld.idx.msk [tilespmem:v19+s19+$0x0], $0xffff  }
0x256: {  	v21 =	vld.idx.msk [tilespmem:v23+s19+$0x0], $0xffff  }
0x257: {  	v19 =	vor.u32 v5, v22;
	v23 =	vld [tilespmem:s29+$0xA4B0]  }
0x258: {  	v52 =	vor.u32 v4, v12;
	v55 =	vld [tilespmem:s29+$0xA4C0];
	v18 =	vadd.f32 v50, v18  }
0x259: {  	v56 =	vld [tilespmem:s29+$0xA5C0];
	v20 =	vadd.f32 v51, v20  }
0x25a: {  	[tilespmem:s29+$0x2430] =	vst.add.f32.msk $0xffff, v18  }
0x25b: {  	[tilespmem:s29+$0x2540] =	vst.add.f32.msk $0xffff, v20  }
0x25c: {  	v20 =	vor.u32 v4, v16;
	v17 =	vadd.f32 v23, v17;
	v19 =	vld.idx.msk [tilespmem:v19+s19+$0x0], $0xffff  }
0x25d: {  	v18 =	vor.u32 v4, v8;
	v23 =	vld.idx.msk [tilespmem:v52+s19+$0x0], $0xffff;
	v21 =	vadd.f32 v53, v21  }
0x25e: {  	[tilespmem:s29+$0x24B0] =	vst.add.f32.msk $0xffff, v17  }
0x25f: {  	[tilespmem:s29+$0x25B0] =	vst.add.f32.msk $0xffff, v21  }
0x260: {  	v17 =	vor.u32 v6, v22;
	v21 =	vld [tilespmem:s29+$0xA440]  }
0x261: {  	v20 =	vld.idx.msk [tilespmem:v20+s19+$0x0], $0xffff;
	v19 =	vadd.f32 v54, v19  }
0x262: {  	v18 =	vld.idx.msk [tilespmem:v18+s19+$0x0], $0xffff  }
0x263: {  	[tilespmem:s29+$0x2550] =	vst.add.f32.msk $0xffff, v19  }
0x264: {  	v59 =	vor.u32 v5, v12;
	v19 =	vld [tilespmem:s29+$0xA560]  }
0x265: {  	v21 =	vadd.f32 v21, v23;
	v17 =	vld.idx.msk [tilespmem:v17+s19+$0x0], $0xffff  }
0x266: {  	v57 =	vld [tilespmem:s29+$0xA450];
	v20 =	vadd.f32 v55, v20  }
0x267: {  	[tilespmem:s29+$0x2440] =	vst.add.f32.msk $0xffff, v21  }
0x268: {  	[tilespmem:s29+$0x24C0] =	vst.add.f32.msk $0xffff, v20  }
0x269: {  	v18 =	vadd.f32 v56, v18;
	v21 =	vor.u32 v5, v8;
	v20 =	vld.idx.msk [tilespmem:v59+s19+$0x0], $0xffff  }
0x26a: {  	v58 =	vld [tilespmem:s29+$0xA4D0];
	v17 =	vadd.f32 v19, v17  }
0x26b: {  	[tilespmem:s29+$0x25C0] =	vst.add.f32.msk $0xffff, v18  }
0x26c: {  	[tilespmem:s29+$0x2560] =	vst.add.f32.msk $0xffff, v17;
	v17 =	vor.u32 v5, v16  }
0x26d: {  	v19 =	vld [tilespmem:s29+$0xA5D0]  }
0x26e: {  	v11 =	vor.u32 v7, v11;
	v18 =	vld.idx.msk [tilespmem:v21+s19+$0x0], $0xffff;
	v20 =	vadd.f32 v57, v20  }
0x26f: {  	v60 =	vld [tilespmem:s29+$0xA4E0]  }
0x270: {  	[tilespmem:s29+$0x2450] =	vst.add.f32.msk $0xffff, v20  }
0x271: {  	v20 =	vor.u32 v6, v8;
	v17 =	vld.idx.msk [tilespmem:v17+s19+$0x0], $0xffff  }
0x272: {  	v61 =	vld [tilespmem:s29+$0xA5E0];
	v22 =	vor.u32 v7, v22  }
0x273: {  	v11 =	vld.idx.msk [tilespmem:v11+s19+$0x0], $0xffff;
	v18 =	vadd.f32 v19, v18  }
0x274: {  	v23 =	vor.u32 v6, v12;
	v21 =	vld [tilespmem:s29+$0xA460]  }
0x275: {  	v62 =	vor.u32 v6, v16;
	[tilespmem:s29+$0x25D0] =	vst.add.f32.msk $0xffff, v18  }
0x276: {  	v19 =	vld.idx.msk [tilespmem:v20+s19+$0x0], $0xffff;
	v17 =	vadd.f32 v58, v17  }
0x277: {  	v22 =	vld.idx.msk [tilespmem:v22+s19+$0x0], $0xffff  }
0x278: {  	[tilespmem:s29+$0x24D0] =	vst.add.f32.msk $0xffff, v17  }
0x279: {  	v8 =	vor.u32 v7, v8;
	v17 =	vld.idx.msk [tilespmem:v23+s19+$0x0], $0xffff  }
0x27a: {  	v18 =	vld.idx.msk [tilespmem:v62+s19+$0x0], $0xffff  }
0x27b: {  	v20 =	vld [tilespmem:s29+$0xA570];
	v19 =	vadd.f32 v61, v19  }
0x27c: {  	v23 =	vld [tilespmem:s29+$0xA470]  }
0x27d: {  	v12 =	vor.u32 v7, v12;
	[tilespmem:s29+$0x25E0] =	vst.add.f32.msk $0xffff, v19  }
0x27e: {  	v16 =	vor.u32 v7, v16;
	v8 =	vld.idx.msk [tilespmem:v8+s19+$0x0], $0xffff;
	v17 =	vadd.f32 v21, v17  }
0x27f: {  	v21 =	vld [tilespmem:s29+$0xA4F0];
	v18 =	vadd.f32 v60, v18  }
0x280: {  	[tilespmem:s29+$0x2460] =	vst.add.f32.msk $0xffff, v17  }
0x281: {  	[tilespmem:s29+$0x24E0] =	vst.add.f32.msk $0xffff, v18  }
0x282: {  	v12 =	vld.idx.msk [tilespmem:v12+s19+$0x0], $0xffff  }
0x283: {  	v11 =	vadd.f32 v13, v11;
	v13 =	vld.idx.msk [tilespmem:v16+s19+$0x0], $0xffff  }
0x284: {  	v9 =	vadd.f32 v14, v9;
	v17 =	vld [tilespmem:s29+$0xA5F0]  }
0x285: {  	v10 =	vadd.f32 v15, v10;
	[tilespmem:s28+$0x2470] =	vst.add.f32.msk $0xffff, v11  }
0x286: {  	[tilespmem:s28+$0x24F0] =	vst.add.f32.msk $0xffff, v9;
	v16 =	vadd.f32 v20, v22  }
0x287: {  	[tilespmem:s28+$0x25F0] =	vst.add.f32.msk $0xffff, v10;
	v9 =	vadd.f32 v23, v12  }
0x288: {  	s31 =	simm.s32 $0x80;
	[tilespmem:s29+$0x2570] =	vst.add.f32.msk $0xffff, v16;
	v10 =	vadd.f32 v21, v13  }
0x289: {  	v11 =	vmov s31;
	s31 =	simm.s32 $0x81;
	v8 =	vadd.f32 v17, v8;
	[tilespmem:s29+$0x2470] =	vst.add.f32.msk $0xffff, v9  }
0x28a: {  	s28 =	simm.s32 $0x83;
	v9 =	vand.u32 $0xFFFFFFFC, v11;
	[tilespmem:s29+$0x24F0] =	vst.add.f32.msk $0xffff, v10;
	v10 =	vmov s31  }
0x28b: {  	[tilespmem:s29+$0x25F0] =	vst.add.f32.msk $0xffff, v8;
	v8 =	vmov s28;
	v9 =	vbroadcast v9, $0x0;
	s31 =	simm.s32 $0x82;
	s29 =	simm.s32 $0x0;
	v10 =	vand.u32 $0xFFFFFFFD, v10  }
0x28c: {  	v11 =	vmov s31;
	[hbm4b:s9+s29] =	stream.linear.scatter [tilespmem:s22], [sflag:$0x4], $0x2000, $0x38;
	v10 =	vbroadcast v10, $0x0;
	[tilespmem:$0x10400] =	vst v63  }
0x28d: {  	v11 =	vand.u32 $0xFFFFFFFE, v11;
	_ =	swait.ge [sflag:s23], $0x4000  }
0x28e: {  	v11 =	vbroadcast v11, $0x0;
	[sflag:s23] =	ssyncset.done $0x0  }
0x28f: {  	[sflag:s23] =	ssyncadd.s32 $0xFFFFC000  }
0x290: {  	v8 =	vld.idx.msk [tilespmem:v8+s18+$0x0], $0xffff  }
0x291: {  	s31 =	simm.s32 $0x84;
	v9 =	vld.idx.msk [tilespmem:v9+s18+$0x0], $0xffff  }
0x292: {  	v12 =	vmov s31;
	v10 =	vld.idx.msk [tilespmem:v10+s18+$0x0], $0xffff  }
0x293: {  	s31 =	simm.s32 $0x87;
	v12 =	vand.u32 $0xFFFFFFFC, v12  }
0x294: {  	v14 =	vmov s31;
	v13 =	vbroadcast v12, $0x0;
	v11 =	vld.idx.msk [tilespmem:v11+s18+$0x0], $0xffff  }
0x295: {  	v8 =	vshll.u32 v8, $0x7  }
0x296: {  	v12 =	vshll.u32 v9, $0x7;
	v15 =	vor.u32 v0, v8  }
0x297: {  	s28 =	simm.s32 $0x0;
	v16 =	vor.u32 v0, v12;
	v9 =	vshll.u32 v10, $0x7  }
0x298: {  	v22 =	vld [tilespmem:s28+$0xC580];
	v17 =	vor.u32 v0, v9  }
0x299: {  	v10 =	vld.idx.msk [tilespmem:v14+s18+$0x0], $0xffff;
	v18 =	vshll.u32 v11, $0x7  }
0x29a: {  	v11 =	vld.idx.msk [tilespmem:v13+s18+$0x0], $0xffff;
	v14 =	vor.u32 v0, v18  }
0x29b: {  	v13 =	vld.idx.msk [tilespmem:v15+s19+$0x0], $0xffff  }
0x29c: {  	v15 =	vld.idx.msk [tilespmem:v16+s19+$0x0], $0xffff  }
0x29d: {  	v16 =	vld.idx.msk [tilespmem:v17+s19+$0x0], $0xffff  }
0x29e: {  	v17 =	vld [tilespmem:s28+$0xC500]  }
0x29f: {  	v14 =	vld.idx.msk [tilespmem:v14+s19+$0x0], $0xffff;
	_ =	sdelay $0x1  }
0x2a0: {  	v19 =	vld [tilespmem:s28+$0xC400]  }
0x2a1: {  	v20 =	vld [tilespmem:s28+$0xC480];
	v21 =	vor.u32 v1, v18  }
0x2a2: {  	v23 =	vld [tilespmem:s28+$0xC410];
	v13 =	vadd.f32 v22, v13  }
0x2a3: {  	v63 =	vld [tilespmem:s28+$0xC490];
	v14 =	vadd.f32 v17, v14  }
0x2a4: {  	[tilespmem:s28+$0x4580] =	vst.add.f32.msk $0xffff, v13  }
0x2a5: {  	[tilespmem:s28+$0x4500] =	vst.add.f32.msk $0xffff, v14  }
0x2a6: {  	v14 =	vadd.f32 v19, v15;
	v15 =	vor.u32 v1, v12;
	v19 =	vld.idx.msk [tilespmem:v21+s19+$0x0], $0xffff  }
0x2a7: {  	v16 =	vadd.f32 v20, v16;
	v20 =	vor.u32 v1, v9;
	v21 =	vld [tilespmem:s28+$0xC510]  }
0x2a8: {  	[tilespmem:s28+$0x4400] =	vst.add.f32.msk $0xffff, v14;
	v14 =	vor.u32 v1, v8  }
0x2a9: {  	v17 =	vld [tilespmem:s28+$0xC590]  }
0x2aa: {  	[tilespmem:s28+$0x4480] =	vst.add.f32.msk $0xffff, v16  }
0x2ab: {  	v16 =	vor.u32 v2, v18;
	v13 =	vld.idx.msk [tilespmem:v15+s19+$0x0], $0xffff  }
0x2ac: {  	v15 =	vld.idx.msk [tilespmem:v20+s19+$0x0], $0xffff;
	v19 =	vadd.f32 v21, v19  }
0x2ad: {  	v14 =	vld.idx.msk [tilespmem:v14+s19+$0x0], $0xffff  }
0x2ae: {  	[tilespmem:s28+$0x4510] =	vst.add.f32.msk $0xffff, v19  }
0x2af: {  	v19 =	vld [tilespmem:s28+$0xC520]  }
0x2b0: {  	v16 =	vld.idx.msk [tilespmem:v16+s19+$0x0], $0xffff  }
0x2b1: {  	v22 =	vld [tilespmem:s28+$0xC4A0];
	v20 =	vor.u32 v2, v12;
	v13 =	vadd.f32 v23, v13  }
0x2b2: {  	v21 =	vld [tilespmem:s28+$0xC420];
	v15 =	vadd.f32 v63, v15  }
0x2b3: {  	[tilespmem:s28+$0x4410] =	vst.add.f32.msk $0xffff, v13;
	v14 =	vadd.f32 v17, v14  }
0x2b4: {  	v13 =	vor.u32 v3, v18;
	[tilespmem:s28+$0x4490] =	vst.add.f32.msk $0xffff, v15  }
0x2b5: {  	v16 =	vadd.f32 v19, v16;
	[tilespmem:s28+$0x4590] =	vst.add.f32.msk $0xffff, v14  }
0x2b6: {  	v15 =	vor.u32 v2, v9;
	v14 =	vld.idx.msk [tilespmem:v20+s19+$0x0], $0xffff  }
0x2b7: {  	v17 =	vor.u32 v2, v8;
	[tilespmem:s28+$0x4520] =	vst.add.f32.msk $0xffff, v16  }
0x2b8: {  	v16 =	vld [tilespmem:s28+$0xC530]  }
0x2b9: {  	v13 =	vld.idx.msk [tilespmem:v13+s19+$0x0], $0xffff  }
0x2ba: {  	v23 =	vld [tilespmem:s28+$0xC430];
	v19 =	vor.u32 v3, v12  }
0x2bb: {  	v15 =	vld.idx.msk [tilespmem:v15+s19+$0x0], $0xffff  }
0x2bc: {  	v20 =	vor.u32 v4, v18;
	v17 =	vld.idx.msk [tilespmem:v17+s19+$0x0], $0xffff;
	v14 =	vadd.f32 v21, v14  }
0x2bd: {  	v21 =	vld [tilespmem:s28+$0xC5A0]  }
0x2be: {  	[tilespmem:s28+$0x4420] =	vst.add.f32.msk $0xffff, v14;
	v13 =	vadd.f32 v16, v13  }
0x2bf: {  	v14 =	vld.idx.msk [tilespmem:v19+s19+$0x0], $0xffff  }
0x2c0: {  	v16 =	vor.u32 v3, v9;
	[tilespmem:s28+$0x4530] =	vst.add.f32.msk $0xffff, v13  }
0x2c1: {  	v19 =	vor.u32 v3, v8;
	v13 =	vadd.f32 v22, v15;
	v15 =	vld.idx.msk [tilespmem:v20+s19+$0x0], $0xffff  }
0x2c2: {  	v17 =	vadd.f32 v21, v17;
	v20 =	vld [tilespmem:s28+$0xC540]  }
0x2c3: {  	[tilespmem:s28+$0x44A0] =	vst.add.f32.msk $0xffff, v13  }
0x2c4: {  	[tilespmem:s28+$0x45A0] =	vst.add.f32.msk $0xffff, v17  }
0x2c5: {  	v13 =	vld.idx.msk [tilespmem:v16+s19+$0x0], $0xffff  }
0x2c6: {  	v17 =	vld.idx.msk [tilespmem:v19+s19+$0x0], $0xffff  }
0x2c7: {  	v16 =	vor.u32 v5, v18;
	v19 =	vld [tilespmem:s28+$0xC4B0]  }
0x2c8: {  	v21 =	vld [tilespmem:s28+$0xC5B0];
	v14 =	vadd.f32 v23, v14  }
0x2c9: {  	v22 =	vld [tilespmem:s28+$0xC550];
	v15 =	vadd.f32 v20, v15  }
0x2ca: {  	[tilespmem:s28+$0x4430] =	vst.add.f32.msk $0xffff, v14  }
0x2cb: {  	v20 =	vor.u32 v4, v12;
	[tilespmem:s28+$0x4540] =	vst.add.f32.msk $0xffff, v15  }
0x2cc: {  	v14 =	vor.u32 v4, v8;
	v13 =	vadd.f32 v19, v13;
	v15 =	vld.idx.msk [tilespmem:v16+s19+$0x0], $0xffff  }
0x2cd: {  	v17 =	vadd.f32 v21, v17;
	v21 =	vld [tilespmem:s28+$0xC5C0]  }
0x2ce: {  	[tilespmem:s28+$0x44B0] =	vst.add.f32.msk $0xffff, v13  }
0x2cf: {  	[tilespmem:s28+$0x45B0] =	vst.add.f32.msk $0xffff, v17  }
0x2d0: {  	v13 =	vor.u32 v6, v18;
	v19 =	vld.idx.msk [tilespmem:v20+s19+$0x0], $0xffff  }
0x2d1: {  	v16 =	vor.u32 v4, v9;
	v14 =	vld.idx.msk [tilespmem:v14+s19+$0x0], $0xffff;
	v15 =	vadd.f32 v22, v15  }
0x2d2: {  	v20 =	vld [tilespmem:s28+$0xC4C0]  }
0x2d3: {  	[tilespmem:s28+$0x4550] =	vst.add.f32.msk $0xffff, v15  }
0x2d4: {  	v15 =	vld [tilespmem:s28+$0xC560]  }
0x2d5: {  	v13 =	vld.idx.msk [tilespmem:v13+s19+$0x0], $0xffff  }
0x2d6: {  	v16 =	vld.idx.msk [tilespmem:v16+s19+$0x0], $0xffff  }
0x2d7: {  	v17 =	vld [tilespmem:s28+$0xC440]  }
0x2d8: {  	v23 =	vld [tilespmem:s28+$0xC4D0];
	v18 =	vor.u32 v7, v18;
	v14 =	vadd.f32 v21, v14  }
0x2d9: {  	v22 =	vld [tilespmem:s28+$0xC450]  }
0x2da: {  	[tilespmem:s28+$0x45C0] =	vst.add.f32.msk $0xffff, v14;
	v13 =	vadd.f32 v15, v13  }
0x2db: {  	v16 =	vadd.f32 v20, v16;
	v20 =	vld [tilespmem:s28+$0xC570]  }
0x2dc: {  	[tilespmem:s28+$0x4560] =	vst.add.f32.msk $0xffff, v13;
	v13 =	vadd.f32 v17, v19;
	v17 =	vor.u32 v5, v12  }
0x2dd: {  	v19 =	vor.u32 v5, v9;
	v18 =	vld.idx.msk [tilespmem:v18+s19+$0x0], $0xffff  }
0x2de: {  	[tilespmem:s28+$0x4440] =	vst.add.f32.msk $0xffff, v13;
	v13 =	vor.u32 v5, v8  }
0x2df: {  	[tilespmem:s28+$0x44C0] =	vst.add.f32.msk $0xffff, v16  }
0x2e0: {  	v15 =	vld [tilespmem:s28+$0xC5D0]  }
0x2e1: {  	v14 =	vld.idx.msk [tilespmem:v17+s19+$0x0], $0xffff  }
0x2e2: {  	v16 =	vld.idx.msk [tilespmem:v19+s19+$0x0], $0xffff  }
0x2e3: {  	v17 =	vadd.f32 v20, v18;
	v20 =	vld.idx.msk [tilespmem:v13+s19+$0x0], $0xffff;
	_ =	sdelay $0x1  }
0x2e4: {  	v19 =	vld [tilespmem:s28+$0xC4E0]  }
0x2e5: {  	v21 =	vor.u32 v6, v12;
	[tilespmem:s28+$0x4570] =	vst.add.f32.msk $0xffff, v17;
	v14 =	vadd.f32 v22, v14  }
0x2e6: {  	v17 =	vld [tilespmem:s28+$0xC460];
	v16 =	vadd.f32 v23, v16;
	v22 =	vor.u32 v6, v9  }
0x2e7: {  	[tilespmem:s28+$0x4450] =	vst.add.f32.msk $0xffff, v14;
	v15 =	vadd.f32 v15, v20  }
0x2e8: {  	s31 =	simm.s32 $0x85;
	v14 =	vor.u32 v6, v8;
	[tilespmem:s28+$0x44D0] =	vst.add.f32.msk $0xffff, v16  }
0x2e9: {  	[tilespmem:s28+$0x45D0] =	vst.add.f32.msk $0xffff, v15;
	v15 =	vmov s31  }
0x2ea: {  	s30 =	simm.s32 $0x86;
	v16 =	vld.idx.msk [tilespmem:v21+s19+$0x0], $0xffff;
	v15 =	vand.u32 $0xFFFFFFFD, v15  }
0x2eb: {  	v21 =	vld.idx.msk [tilespmem:v22+s19+$0x0], $0xffff;
	v22 =	vmov s30;
	v23 =	vbroadcast v15, $0x0  }
0x2ec: {  	v18 =	vld [tilespmem:s28+$0xC5E0];
	v22 =	vand.u32 $0xFFFFFFFE, v22  }
0x2ed: {  	v20 =	vld.idx.msk [tilespmem:v14+s19+$0x0], $0xffff;
	v22 =	vbroadcast v22, $0x0  }
0x2ee: {  	v13 =	vld [tilespmem:s28+$0xC470]  }
0x2ef: {  	v15 =	vld [tilespmem:s28+$0xC5F0]  }
0x2f0: {  	s30 =	simm.s32 $0x4;
	v14 =	vld [tilespmem:s28+$0xC4F0];
	v16 =	vadd.f32 v17, v16  }
.LBB2_6:
0x2f1: {  	s0 =	sadd.s32 $0x84, s30;
	v17 =	vld.idx.msk [tilespmem:v23+s18+$0x0], $0xffff;
	v23 =	vor.u32 v7, v12;
	v12 =	vadd.f32 v19, v21  }
0x2f2: {  	v19 =	vmov s0;
	[tilespmem:s28+$0x4460] =	vst.add.f32.msk $0xffff, v16;
	v16 =	vor.u32 v7, v9;
	v9 =	vadd.f32 v18, v20  }
0x2f3: {  	s0 =	sadd.s32 $0x87, s30;
	v20 =	vor.u32 v7, v8;
	v18 =	vand.u32 $0xFFFFFFFC, v19;
	v19 =	vld.idx.msk [tilespmem:v22+s18+$0x0], $0xffff  }
0x2f4: {  	v21 =	vbroadcast v18, $0x0;
	v18 =	vmov s0;
	[tilespmem:s28+$0x44E0] =	vst.add.f32.msk $0xffff, v12  }
0x2f5: {  	v8 =	vshll.u32 v10, $0x7;
	[tilespmem:s28+$0x45E0] =	vst.add.f32.msk $0xffff, v9  }
0x2f6: {  	v22 =	vor.u32 v0, v8;
	v12 =	vshll.u32 v11, $0x7;
	v23 =	vld.idx.msk [tilespmem:v23+s19+$0x0], $0xffff  }
0x2f7: {  	v24 =	vor.u32 v0, v12;
	v9 =	vshll.u32 v17, $0x7;
	v16 =	vld.idx.msk [tilespmem:v16+s19+$0x0], $0xffff  }
0x2f8: {  	v17 =	vor.u32 v0, v9;
	v20 =	vld.idx.msk [tilespmem:v20+s19+$0x0], $0xffff  }
0x2f9: {  	v10 =	vld.idx.msk [tilespmem:v18+s18+$0x0], $0xffff;
	v18 =	vshll.u32 v19, $0x7  }
0x2fa: {  	v11 =	vld.idx.msk [tilespmem:v21+s18+$0x0], $0xffff;
	v19 =	vor.u32 v0, v18  }
0x2fb: {  	v21 =	vld.idx.msk [tilespmem:v22+s19+$0x0], $0xffff  }
0x2fc: {  	v13 =	vadd.f32 v13, v23;
	v22 =	vld.idx.msk [tilespmem:v24+s19+$0x0], $0xffff  }
0x2fd: {  	v16 =	vadd.f32 v14, v16;
	v23 =	vld.idx.msk [tilespmem:v17+s19+$0x0], $0xffff  }
0x2fe: {  	s29 =	sadd.s32 $0x800, s29;
	v17 =	vadd.f32 v15, v20;
	[tilespmem:s28+$0x4470] =	vst.add.f32.msk $0xffff, v13  }
0x2ff: {  	s31 =	sshra.s32 s29, $0x2;
	v13 =	vld.idx.msk [tilespmem:v19+s19+$0x0], $0xffff  }
0x300: {  	v14 =	vld [tilespmem:s31+$0xC500]  }
0x301: {  	v15 =	vld [tilespmem:s31+$0xC400]  }
0x302: {  	v19 =	vld [tilespmem:s31+$0xC480]  }
0x303: {  	v20 =	vor.u32 v1, v18;
	v24 =	vld [tilespmem:s31+$0xC580]  }
0x304: {  	v25 =	vld [tilespmem:s31+$0xC410]  }
0x305: {  	v26 =	vld [tilespmem:s31+$0xC490];
	v13 =	vadd.f32 v14, v13  }
0x306: {  	v14 =	vadd.f32 v15, v22;
	v15 =	vld [tilespmem:s31+$0xC590]  }
0x307: {  	v19 =	vadd.f32 v19, v23;
	[tilespmem:s31+$0x4500] =	vst.add.f32.msk $0xffff, v13  }
0x308: {  	v13 =	vor.u32 v1, v12;
	v20 =	vld.idx.msk [tilespmem:v20+s19+$0x0], $0xffff;
	v21 =	vadd.f32 v24, v21  }
0x309: {  	v22 =	vor.u32 v1, v9;
	v23 =	vld [tilespmem:s31+$0xC510]  }
0x30a: {  	[tilespmem:s31+$0x4400] =	vst.add.f32.msk $0xffff, v14;
	v14 =	vor.u32 v1, v8  }
0x30b: {  	[tilespmem:s31+$0x4480] =	vst.add.f32.msk $0xffff, v19  }
0x30c: {  	v19 =	vor.u32 v2, v18;
	[tilespmem:s31+$0x4580] =	vst.add.f32.msk $0xffff, v21  }
0x30d: {  	v13 =	vld.idx.msk [tilespmem:v13+s19+$0x0], $0xffff  }
0x30e: {  	v21 =	vld.idx.msk [tilespmem:v22+s19+$0x0], $0xffff;
	v20 =	vadd.f32 v23, v20  }
0x30f: {  	v14 =	vld.idx.msk [tilespmem:v14+s19+$0x0], $0xffff  }
0x310: {  	[tilespmem:s31+$0x4510] =	vst.add.f32.msk $0xffff, v20  }
0x311: {  	v19 =	vld.idx.msk [tilespmem:v19+s19+$0x0], $0xffff  }
0x312: {  	v20 =	vld [tilespmem:s31+$0xC520]  }
0x313: {  	v22 =	vor.u32 v2, v12;
	v13 =	vadd.f32 v25, v13;
	v23 =	vld [tilespmem:s31+$0xC420]  }
0x314: {  	v21 =	vadd.f32 v26, v21;
	v24 =	vld [tilespmem:s31+$0xC4A0]  }
0x315: {  	v14 =	vadd.f32 v15, v14;
	[tilespmem:s31+$0x4410] =	vst.add.f32.msk $0xffff, v13;
	v13 =	vor.u32 v3, v18  }
0x316: {  	[tilespmem:s31+$0x4490] =	vst.add.f32.msk $0xffff, v21  }
0x317: {  	v15 =	vor.u32 v2, v9;
	v19 =	vadd.f32 v20, v19;
	[tilespmem:s31+$0x4590] =	vst.add.f32.msk $0xffff, v14  }
0x318: {  	v20 =	vor.u32 v2, v8;
	v14 =	vld.idx.msk [tilespmem:v22+s19+$0x0], $0xffff  }
0x319: {  	[tilespmem:s31+$0x4520] =	vst.add.f32.msk $0xffff, v19  }
0x31a: {  	v13 =	vld.idx.msk [tilespmem:v13+s19+$0x0], $0xffff  }
0x31b: {  	v19 =	vld [tilespmem:s31+$0xC530]  }
0x31c: {  	v21 =	vor.u32 v3, v12;
	v15 =	vld.idx.msk [tilespmem:v15+s19+$0x0], $0xffff  }
0x31d: {  	v20 =	vld.idx.msk [tilespmem:v20+s19+$0x0], $0xffff  }
0x31e: {  	v22 =	vor.u32 v4, v18;
	v14 =	vadd.f32 v23, v14;
	v23 =	vld [tilespmem:s31+$0xC5A0]  }
0x31f: {  	v25 =	vld [tilespmem:s31+$0xC430]  }
0x320: {  	[tilespmem:s31+$0x4420] =	vst.add.f32.msk $0xffff, v14;
	v13 =	vadd.f32 v19, v13  }
0x321: {  	v14 =	vld.idx.msk [tilespmem:v21+s19+$0x0], $0xffff  }
0x322: {  	v19 =	vor.u32 v3, v9;
	v15 =	vadd.f32 v24, v15;
	[tilespmem:s31+$0x4530] =	vst.add.f32.msk $0xffff, v13  }
0x323: {  	v21 =	vor.u32 v3, v8;
	v13 =	vld.idx.msk [tilespmem:v22+s19+$0x0], $0xffff;
	v20 =	vadd.f32 v23, v20  }
0x324: {  	v22 =	vld [tilespmem:s31+$0xC540]  }
0x325: {  	[tilespmem:s31+$0x44A0] =	vst.add.f32.msk $0xffff, v15  }
0x326: {  	[tilespmem:s31+$0x45A0] =	vst.add.f32.msk $0xffff, v20  }
0x327: {  	v14 =	vadd.f32 v25, v14;
	v15 =	vld.idx.msk [tilespmem:v19+s19+$0x0], $0xffff;
	v19 =	vor.u32 v5, v18  }
0x328: {  	v20 =	vld.idx.msk [tilespmem:v21+s19+$0x0], $0xffff  }
0x329: {  	v21 =	vld [tilespmem:s31+$0xC4B0];
	v13 =	vadd.f32 v22, v13  }
0x32a: {  	v22 =	vor.u32 v4, v12;
	v23 =	vld [tilespmem:s31+$0xC5B0]  }
0x32b: {  	[tilespmem:s31+$0x4540] =	vst.add.f32.msk $0xffff, v13  }
0x32c: {  	v13 =	vld.idx.msk [tilespmem:v19+s19+$0x0], $0xffff  }
0x32d: {  	v19 =	vor.u32 v4, v9;
	v24 =	vld [tilespmem:s31+$0xC550]  }
0x32e: {  	[tilespmem:s31+$0x4430] =	vst.add.f32.msk $0xffff, v14;
	v14 =	vadd.f32 v21, v15;
	v15 =	vor.u32 v4, v8  }
0x32f: {  	v21 =	vld.idx.msk [tilespmem:v22+s19+$0x0], $0xffff;
	v20 =	vadd.f32 v23, v20  }
0x330: {  	[tilespmem:s31+$0x44B0] =	vst.add.f32.msk $0xffff, v14;
	v14 =	vor.u32 v6, v18  }
0x331: {  	[tilespmem:s31+$0x45B0] =	vst.add.f32.msk $0xffff, v20  }
0x332: {  	v19 =	vld.idx.msk [tilespmem:v19+s19+$0x0], $0xffff;
	v13 =	vadd.f32 v24, v13  }
0x333: {  	v15 =	vld.idx.msk [tilespmem:v15+s19+$0x0], $0xffff  }
0x334: {  	[tilespmem:s31+$0x4550] =	vst.add.f32.msk $0xffff, v13  }
0x335: {  	v13 =	vld.idx.msk [tilespmem:v14+s19+$0x0], $0xffff  }
0x336: {  	v14 =	vld [tilespmem:s31+$0xC560]  }
0x337: {  	v20 =	vld [tilespmem:s31+$0xC440]  }
0x338: {  	v22 =	vld [tilespmem:s31+$0xC4C0]  }
0x339: {  	v18 =	vor.u32 v7, v18;
	v23 =	vld [tilespmem:s31+$0xC5C0]  }
0x33a: {  	v24 =	vld [tilespmem:s31+$0xC450]  }
0x33b: {  	v25 =	vld [tilespmem:s31+$0xC4D0];
	v13 =	vadd.f32 v14, v13  }
0x33c: {  	v14 =	vadd.f32 v20, v21;
	v20 =	vld [tilespmem:s31+$0xC5D0]  }
0x33d: {  	v19 =	vadd.f32 v22, v19;
	[tilespmem:s31+$0x4560] =	vst.add.f32.msk $0xffff, v13  }
0x33e: {  	v13 =	vor.u32 v5, v12;
	v18 =	vld.idx.msk [tilespmem:v18+s19+$0x0], $0xffff;
	v15 =	vadd.f32 v23, v15  }
0x33f: {  	v21 =	vor.u32 v5, v9;
	v22 =	vld [tilespmem:s31+$0xC570]  }
0x340: {  	[tilespmem:s31+$0x4440] =	vst.add.f32.msk $0xffff, v14;
	v14 =	vor.u32 v5, v8  }
0x341: {  	[tilespmem:s31+$0x44C0] =	vst.add.f32.msk $0xffff, v19  }
0x342: {  	[tilespmem:s31+$0x45C0] =	vst.add.f32.msk $0xffff, v15  }
0x343: {  	v13 =	vld.idx.msk [tilespmem:v13+s19+$0x0], $0xffff  }
0x344: {  	v15 =	vld.idx.msk [tilespmem:v21+s19+$0x0], $0xffff;
	v18 =	vadd.f32 v22, v18  }
0x345: {  	v14 =	vld.idx.msk [tilespmem:v14+s19+$0x0], $0xffff  }
0x346: {  	[tilespmem:s31+$0x4570] =	vst.add.f32.msk $0xffff, v18  }
0x347: {  	v26 =	vld [tilespmem:s31+$0xC460]  }
0x348: {  	v19 =	vld [tilespmem:s31+$0xC4E0]  }
0x349: {  	v22 =	vor.u32 v6, v12;
	v21 =	vadd.f32 v24, v13;
	v18 =	vld [tilespmem:s31+$0xC5E0]  }
0x34a: {  	v24 =	vor.u32 v6, v9;
	v15 =	vadd.f32 v25, v15;
	v13 =	vld [tilespmem:s31+$0xC470]  }
0x34b: {  	v14 =	vadd.f32 v20, v14;
	v20 =	vor.u32 v6, v8;
	[tilespmem:s31+$0x4450] =	vst.add.f32.msk $0xffff, v21  }
0x34c: {  	s0 =	sadd.s32 $0x85, s30;
	[tilespmem:s31+$0x44D0] =	vst.add.f32.msk $0xffff, v15  }
0x34d: {  	v15 =	vmov s0;
	[tilespmem:s31+$0x45D0] =	vst.add.f32.msk $0xffff, v14  }
0x34e: {  	s0 =	sadd.s32 $0x86, s30;
	s30 =	sadd.s32 $0x4, s30;
	v14 =	vand.u32 $0xFFFFFFFD, v15;
	v25 =	vld.idx.msk [tilespmem:v22+s19+$0x0], $0xffff  }
0x34f: {  	p0 =	slt.u32 s30, $0x3C;
	v23 =	vbroadcast v14, $0x0;
	v14 =	vmov s0;
	v21 =	vld.idx.msk [tilespmem:v24+s19+$0x0], $0xffff  }
.Ltmp2:
0x350: {  	v14 =	vand.u32 $0xFFFFFFFE, v14;
	v20 =	vld.idx.msk [tilespmem:v20+s19+$0x0], $0xffff;
	(pc) =	sbr.rel @p0 .LBB2_6-.Ltmp2, $4  }
0x351: {  	v22 =	vbroadcast v14, $0x0;
	v14 =	vld [tilespmem:s31+$0xC4F0]  }
0x352: {  	v15 =	vld [tilespmem:s31+$0xC5F0]  }
0x353: {  	[tilespmem:s28+$0x44F0] =	vst.add.f32.msk $0xffff, v16  }
0x354: {  	v16 =	vadd.f32 v26, v25;
	[tilespmem:s28+$0x45F0] =	vst.add.f32.msk $0xffff, v17;
	s28 =	smov.u32 s31  }
0x355: {  	_ =	sdelay $0x3  }
0x356: {  	v17 =	vld.idx.msk [tilespmem:v22+s18+$0x0], $0xffff  }
0x357: {  	v22 =	vld.idx.msk [tilespmem:v23+s18+$0x0], $0xffff;
	v19 =	vadd.f32 v19, v21  }
0x358: {  	v23 =	vor.u32 v7, v12;
	v12 =	vshll.u32 v11, $0x7;
	v11 =	vadd.f32 v18, v20;
	[tilespmem:s28+$0x4460] =	vst.add.f32.msk $0xffff, v16  }
0x359: {  	s0 =	sadd.s32 $0x800, s29;
	[tilespmem:s28+$0x44E0] =	vst.add.f32.msk $0xffff, v19  }
0x35a: {  	s29 =	sshra.s32 s0, $0x2;
	[tilespmem:s28+$0x45E0] =	vst.add.f32.msk $0xffff, v11  }
0x35b: {  	v24 =	vld [tilespmem:s29+$0xC480]  }
0x35c: {  	v26 =	vld [tilespmem:s29+$0xC580]  }
0x35d: {  	v10 =	vshll.u32 v10, $0x7;
	v18 =	vor.u32 v0, v12;
	v27 =	vld [tilespmem:s29+$0xC410]  }
0x35e: {  	v21 =	vor.u32 v0, v10;
	v45 =	vld [tilespmem:s29+$0xC510];
	v17 =	vshll.u32 v17, $0x7  }
0x35f: {  	v11 =	vld.idx.msk [tilespmem:v23+s19+$0x0], $0xffff;
	v19 =	vor.u32 v0, v17  }
0x360: {  	v16 =	vshll.u32 v22, $0x7;
	v22 =	vld [tilespmem:s29+$0xC500]  }
0x361: {  	v23 =	vld [tilespmem:s29+$0xC400]  }
0x362: {  	v20 =	vor.u32 v0, v16;
	v18 =	vld.idx.msk [tilespmem:v18+s19+$0x0], $0xffff  }
0x363: {  	v21 =	vld.idx.msk [tilespmem:v21+s19+$0x0], $0xffff  }
0x364: {  	v19 =	vld.idx.msk [tilespmem:v19+s19+$0x0], $0xffff  }
0x365: {  	v49 =	vld [tilespmem:s29+$0xC420]  }
0x366: {  	v52 =	vld [tilespmem:s29+$0xC5A0]  }
0x367: {  	v25 =	vor.u32 v1, v17;
	v20 =	vld.idx.msk [tilespmem:v20+s19+$0x0], $0xffff;
	v18 =	vadd.f32 v23, v18  }
0x368: {  	v54 =	vld [tilespmem:s29+$0xC540];
	v21 =	vadd.f32 v26, v21  }
0x369: {  	[tilespmem:s29+$0x4400] =	vst.add.f32.msk $0xffff, v18;
	v19 =	vadd.f32 v22, v19  }
0x36a: {  	v18 =	vor.u32 v1, v16;
	[tilespmem:s29+$0x4580] =	vst.add.f32.msk $0xffff, v21  }
0x36b: {  	v23 =	vor.u32 v1, v12;
	[tilespmem:s29+$0x4500] =	vst.add.f32.msk $0xffff, v19  }
0x36c: {  	v46 =	vor.u32 v1, v10;
	v20 =	vadd.f32 v24, v20;
	v19 =	vld.idx.msk [tilespmem:v25+s19+$0x0], $0xffff  }
0x36d: {  	v22 =	vld [tilespmem:s29+$0xC490]  }
0x36e: {  	[tilespmem:s29+$0x4480] =	vst.add.f32.msk $0xffff, v20  }
0x36f: {  	v21 =	vor.u32 v2, v17;
	v18 =	vld.idx.msk [tilespmem:v18+s19+$0x0], $0xffff  }
0x370: {  	v23 =	vld.idx.msk [tilespmem:v23+s19+$0x0], $0xffff  }
0x371: {  	v47 =	vld.idx.msk [tilespmem:v46+s19+$0x0], $0xffff;
	v19 =	vadd.f32 v45, v19  }
0x372: {  	v20 =	vld [tilespmem:s29+$0xC590]  }
0x373: {  	[tilespmem:s29+$0x4510] =	vst.add.f32.msk $0xffff, v19  }
0x374: {  	v18 =	vadd.f32 v22, v18;
	v19 =	vld.idx.msk [tilespmem:v21+s19+$0x0], $0xffff  }
0x375: {  	v48 =	vor.u32 v2, v12;
	v23 =	vadd.f32 v27, v23;
	v21 =	vld [tilespmem:s29+$0xC520]  }
0x376: {  	[tilespmem:s29+$0x4490] =	vst.add.f32.msk $0xffff, v18;
	v18 =	vor.u32 v2, v16  }
0x377: {  	[tilespmem:s29+$0x4410] =	vst.add.f32.msk $0xffff, v23;
	v20 =	vadd.f32 v20, v47  }
0x378: {  	v23 =	vor.u32 v3, v17;
	v22 =	vld [tilespmem:s29+$0xC4A0]  }
0x379: {  	[tilespmem:s29+$0x4590] =	vst.add.f32.msk $0xffff, v20  }
0x37a: {  	v20 =	vld.idx.msk [tilespmem:v48+s19+$0x0], $0xffff;
	v19 =	vadd.f32 v21, v19  }
0x37b: {  	v18 =	vld.idx.msk [tilespmem:v18+s19+$0x0], $0xffff  }
0x37c: {  	[tilespmem:s29+$0x4520] =	vst.add.f32.msk $0xffff, v19  }
0x37d: {  	v21 =	vor.u32 v2, v10;
	v19 =	vld.idx.msk [tilespmem:v23+s19+$0x0], $0xffff  }
0x37e: {  	v23 =	vld [tilespmem:s29+$0xC530]  }
0x37f: {  	v55 =	vld [tilespmem:s29+$0xC4B0];
	v20 =	vadd.f32 v49, v20  }
0x380: {  	v56 =	vld [tilespmem:s29+$0xC5B0]  }
0x381: {  	v51 =	vor.u32 v4, v17;
	[tilespmem:s29+$0x4420] =	vst.add.f32.msk $0xffff, v20  }
0x382: {  	v53 =	vor.u32 v3, v16;
	v18 =	vadd.f32 v22, v18;
	v21 =	vld.idx.msk [tilespmem:v21+s19+$0x0], $0xffff  }
0x383: {  	v50 =	vor.u32 v3, v12;
	v20 =	vld [tilespmem:s29+$0xC430];
	v19 =	vadd.f32 v23, v19  }
0x384: {  	[tilespmem:s29+$0x44A0] =	vst.add.f32.msk $0xffff, v18  }
0x385: {  	v22 =	vor.u32 v3, v10;
	[tilespmem:s29+$0x4530] =	vst.add.f32.msk $0xffff, v19  }
0x386: {  	v19 =	vld.idx.msk [tilespmem:v51+s19+$0x0], $0xffff  }
0x387: {  	v18 =	vld.idx.msk [tilespmem:v53+s19+$0x0], $0xffff;
	v21 =	vadd.f32 v52, v21  }
0x388: {  	v23 =	vld.idx.msk [tilespmem:v50+s19+$0x0], $0xffff  }
0x389: {  	[tilespmem:s29+$0x45A0] =	vst.add.f32.msk $0xffff, v21;
	v21 =	vor.u32 v5, v17  }
0x38a: {  	v22 =	vld.idx.msk [tilespmem:v22+s19+$0x0], $0xffff  }
0x38b: {  	v57 =	vld [tilespmem:s29+$0xC550];
	v19 =	vadd.f32 v54, v19  }
0x38c: {  	v58 =	vld [tilespmem:s29+$0xC4C0]  }
0x38d: {  	v18 =	vadd.f32 v55, v18;
	v20 =	vadd.f32 v20, v23;
	v23 =	vor.u32 v4, v16;
	[tilespmem:s29+$0x4540] =	vst.add.f32.msk $0xffff, v19  }
0x38e: {  	v21 =	vld.idx.msk [tilespmem:v21+s19+$0x0], $0xffff  }
0x38f: {  	[tilespmem:s29+$0x44B0] =	vst.add.f32.msk $0xffff, v18;
	v19 =	vor.u32 v4, v12;
	v22 =	vadd.f32 v56, v22  }
0x390: {  	[tilespmem:s29+$0x4430] =	vst.add.f32.msk $0xffff, v20  }
0x391: {  	v20 =	vor.u32 v6, v17;
	[tilespmem:s29+$0x45B0] =	vst.add.f32.msk $0xffff, v22  }
0x392: {  	v22 =	vld.idx.msk [tilespmem:v23+s19+$0x0], $0xffff  }
0x393: {  	v23 =	vld [tilespmem:s29+$0xC440];
	v18 =	vadd.f32 v57, v21  }
0x394: {  	v19 =	vld.idx.msk [tilespmem:v19+s19+$0x0], $0xffff  }
0x395: {  	[tilespmem:s29+$0x4550] =	vst.add.f32.msk $0xffff, v18  }
0x396: {  	v21 =	vor.u32 v4, v10;
	v18 =	vld.idx.msk [tilespmem:v20+s19+$0x0], $0xffff  }
0x397: {  	v20 =	vld [tilespmem:s29+$0xC560]  }
0x398: {  	v59 =	vld [tilespmem:s29+$0xC5C0];
	v60 =	vor.u32 v5, v16;
	v22 =	vadd.f32 v58, v22  }
0x399: {  	v61 =	vld [tilespmem:s29+$0xC570]  }
0x39a: {  	[tilespmem:s29+$0x44C0] =	vst.add.f32.msk $0xffff, v22  }
0x39b: {  	v21 =	vld.idx.msk [tilespmem:v21+s19+$0x0], $0xffff  }
0x39c: {  	v19 =	vadd.f32 v23, v19;
	v23 =	vld [tilespmem:s29+$0xC4D0];
	v18 =	vadd.f32 v20, v18  }
0x39d: {  	v24 =	vld.idx.msk [tilespmem:v60+s19+$0x0], $0xffff  }
0x39e: {  	[tilespmem:s29+$0x4560] =	vst.add.f32.msk $0xffff, v18;
	v18 =	vor.u32 v5, v12  }
0x39f: {  	v22 =	vor.u32 v5, v10;
	[tilespmem:s29+$0x4440] =	vst.add.f32.msk $0xffff, v19  }
0x3a0: {  	v9 =	vor.u32 v7, v9;
	v19 =	vld [tilespmem:s29+$0xC5D0];
	v21 =	vadd.f32 v59, v21  }
0x3a1: {  	v20 =	vld [tilespmem:s29+$0xC450]  }
0x3a2: {  	v62 =	vor.u32 v6, v16;
	[tilespmem:s29+$0x45C0] =	vst.add.f32.msk $0xffff, v21  }
0x3a3: {  	v18 =	vld.idx.msk [tilespmem:v18+s19+$0x0], $0xffff  }
0x3a4: {  	v23 =	vadd.f32 v23, v24;
	v21 =	vld.idx.msk [tilespmem:v22+s19+$0x0], $0xffff  }
0x3a5: {  	v9 =	vld.idx.msk [tilespmem:v9+s19+$0x0], $0xffff  }
0x3a6: {  	[tilespmem:s29+$0x44D0] =	vst.add.f32.msk $0xffff, v23  }
0x3a7: {  	v24 =	vld.idx.msk [tilespmem:v62+s19+$0x0], $0xffff  }
0x3a8: {  	v23 =	vor.u32 v6, v10;
	v22 =	vld [tilespmem:s29+$0xC460];
	v18 =	vadd.f32 v20, v18  }
0x3a9: {  	v19 =	vadd.f32 v19, v21;
	v21 =	vld [tilespmem:s29+$0xC5E0];
	v20 =	vor.u32 v6, v12  }
0x3aa: {  	v8 =	vor.u32 v7, v8;
	[tilespmem:s29+$0x4450] =	vst.add.f32.msk $0xffff, v18  }
0x3ab: {  	v17 =	vor.u32 v7, v17;
	v18 =	vld [tilespmem:s29+$0xC4E0]  }
0x3ac: {  	[tilespmem:s29+$0x45D0] =	vst.add.f32.msk $0xffff, v19  }
0x3ad: {  	v23 =	vld.idx.msk [tilespmem:v23+s19+$0x0], $0xffff  }
0x3ae: {  	v20 =	vld.idx.msk [tilespmem:v20+s19+$0x0], $0xffff  }
0x3af: {  	v8 =	vld.idx.msk [tilespmem:v8+s19+$0x0], $0xffff;
	v16 =	vor.u32 v7, v16  }
0x3b0: {  	v17 =	vld.idx.msk [tilespmem:v17+s19+$0x0], $0xffff;
	v18 =	vadd.f32 v18, v24  }
0x3b1: {  	v19 =	vld [tilespmem:s29+$0xC470]  }
0x3b2: {  	v12 =	vor.u32 v7, v12;
	[tilespmem:s29+$0x44E0] =	vst.add.f32.msk $0xffff, v18  }
0x3b3: {  	v18 =	vadd.f32 v21, v23;
	v20 =	vadd.f32 v22, v20;
	v22 =	vld [tilespmem:s29+$0xC4F0]  }
0x3b4: {  	v10 =	vor.u32 v7, v10;
	v16 =	vld.idx.msk [tilespmem:v16+s19+$0x0], $0xffff  }
0x3b5: {  	[tilespmem:s29+$0x45E0] =	vst.add.f32.msk $0xffff, v18  }
0x3b6: {  	[tilespmem:s29+$0x4460] =	vst.add.f32.msk $0xffff, v20  }
0x3b7: {  	v12 =	vld.idx.msk [tilespmem:v12+s19+$0x0], $0xffff  }
0x3b8: {  	v11 =	vadd.f32 v13, v11;
	v20 =	vld [tilespmem:s29+$0xC5F0]  }
0x3b9: {  	v8 =	vadd.f32 v15, v8;
	v10 =	vld.idx.msk [tilespmem:v10+s19+$0x0], $0xffff  }
0x3ba: {  	s31 =	simm.s32 $0xC0;
	s30 =	simm.s32 $0xC3;
	[tilespmem:s28+$0x4470] =	vst.add.f32.msk $0xffff, v11;
	v13 =	vadd.f32 v61, v17  }
0x3bb: {  	v9 =	vadd.f32 v14, v9;
	v11 =	vmov s31;
	s31 =	simm.s32 $0xC1;
	[tilespmem:s28+$0x45F0] =	vst.add.f32.msk $0xffff, v8;
	v8 =	vmov s30  }
0x3bc: {  	v11 =	vand.u32 $0xFFFFFFFC, v11;
	[tilespmem:s29+$0x4570] =	vst.add.f32.msk $0xffff, v13;
	v13 =	vmov s31;
	v12 =	vadd.f32 v19, v12  }
0x3bd: {  	[tilespmem:s28+$0x44F0] =	vst.add.f32.msk $0xffff, v9;
	v11 =	vbroadcast v11, $0x0;
	s31 =	simm.s32 $0xC2;
	v13 =	vand.u32 $0xFFFFFFFD, v13;
	v9 =	vadd.f32 v22, v16  }
0x3be: {  	v14 =	vmov s31;
	v10 =	vadd.f32 v20, v10;
	[tilespmem:s29+$0x4470] =	vst.add.f32.msk $0xffff, v12;
	v12 =	vbroadcast v13, $0x0  }
0x3bf: {  	[tilespmem:s29+$0x44F0] =	vst.add.f32.msk $0xffff, v9;
	v13 =	vand.u32 $0xFFFFFFFE, v14  }
0x3c0: {  	[tilespmem:s29+$0x45F0] =	vst.add.f32.msk $0xffff, v10;
	s29 =	simm.s32 $0x0;
	v9 =	vbroadcast v13, $0x0  }
0x3c1: {  	[hbm4b:s10+s29] =	stream.linear.scatter [tilespmem:s16], [sflag:$0x4], $0x2000, $0x38;
	[tilespmem:$0x10400] =	vst v63  }
0x3c2: {  	s31 =	simm.s32 $0xC4;
	v8 =	vld.idx.msk [tilespmem:v8+s18+$0x0], $0xffff  }
0x3c3: {  	v10 =	vld.idx.msk [tilespmem:v11+s18+$0x0], $0xffff;
	v11 =	vmov s31  }
0x3c4: {  	v11 =	vand.u32 $0xFFFFFFFC, v11;
	v12 =	vld.idx.msk [tilespmem:v12+s18+$0x0], $0xffff  }
0x3c5: {  	v13 =	vbroadcast v11, $0x0  }
0x3c6: {  	s31 =	simm.s32 $0xC7;
	v9 =	vld.idx.msk [tilespmem:v9+s18+$0x0], $0xffff  }
0x3c7: {  	v14 =	vmov s31;
	v8 =	vshll.u32 v8, $0x7  }
0x3c8: {  	v11 =	vshll.u32 v10, $0x7;
	v15 =	vor.u32 v0, v8  }
0x3c9: {  	s28 =	simm.s32 $0x0;
	v16 =	vor.u32 v0, v11;
	v12 =	vshll.u32 v12, $0x7  }
0x3ca: {  	v22 =	vld [tilespmem:s28+$0xE580];
	v17 =	vor.u32 v0, v12  }
0x3cb: {  	v10 =	vld.idx.msk [tilespmem:v13+s18+$0x0], $0xffff;
	v18 =	vshll.u32 v9, $0x7  }
0x3cc: {  	v9 =	vld.idx.msk [tilespmem:v14+s18+$0x0], $0xffff;
	v14 =	vor.u32 v0, v18  }
0x3cd: {  	v13 =	vld.idx.msk [tilespmem:v15+s19+$0x0], $0xffff  }
0x3ce: {  	v15 =	vld.idx.msk [tilespmem:v16+s19+$0x0], $0xffff  }
0x3cf: {  	v16 =	vld.idx.msk [tilespmem:v17+s19+$0x0], $0xffff  }
0x3d0: {  	v17 =	vld [tilespmem:s28+$0xE500]  }
0x3d1: {  	v14 =	vld.idx.msk [tilespmem:v14+s19+$0x0], $0xffff;
	_ =	sdelay $0x1  }
0x3d2: {  	v19 =	vld [tilespmem:s28+$0xE400]  }
0x3d3: {  	v20 =	vld [tilespmem:s28+$0xE480];
	v21 =	vor.u32 v1, v18  }
0x3d4: {  	v23 =	vld [tilespmem:s28+$0xE410];
	v13 =	vadd.f32 v22, v13  }
0x3d5: {  	v63 =	vld [tilespmem:s28+$0xE490];
	v14 =	vadd.f32 v17, v14  }
0x3d6: {  	[tilespmem:s28+$0x6580] =	vst.add.f32.msk $0xffff, v13  }
0x3d7: {  	[tilespmem:s28+$0x6500] =	vst.add.f32.msk $0xffff, v14  }
0x3d8: {  	v14 =	vadd.f32 v19, v15;
	v15 =	vor.u32 v1, v11;
	v19 =	vld.idx.msk [tilespmem:v21+s19+$0x0], $0xffff  }
0x3d9: {  	v16 =	vadd.f32 v20, v16;
	v20 =	vor.u32 v1, v12;
	v21 =	vld [tilespmem:s28+$0xE510]  }
0x3da: {  	[tilespmem:s28+$0x6400] =	vst.add.f32.msk $0xffff, v14;
	v14 =	vor.u32 v1, v8  }
0x3db: {  	v17 =	vld [tilespmem:s28+$0xE590]  }
0x3dc: {  	[tilespmem:s28+$0x6480] =	vst.add.f32.msk $0xffff, v16  }
0x3dd: {  	v16 =	vor.u32 v2, v18;
	v13 =	vld.idx.msk [tilespmem:v15+s19+$0x0], $0xffff  }
0x3de: {  	v15 =	vld.idx.msk [tilespmem:v20+s19+$0x0], $0xffff;
	v19 =	vadd.f32 v21, v19  }
0x3df: {  	v14 =	vld.idx.msk [tilespmem:v14+s19+$0x0], $0xffff  }
0x3e0: {  	[tilespmem:s28+$0x6510] =	vst.add.f32.msk $0xffff, v19  }
0x3e1: {  	v19 =	vld [tilespmem:s28+$0xE520]  }
0x3e2: {  	v16 =	vld.idx.msk [tilespmem:v16+s19+$0x0], $0xffff  }
0x3e3: {  	v22 =	vld [tilespmem:s28+$0xE4A0];
	v20 =	vor.u32 v2, v11;
	v13 =	vadd.f32 v23, v13  }
0x3e4: {  	v21 =	vld [tilespmem:s28+$0xE420];
	v15 =	vadd.f32 v63, v15  }
0x3e5: {  	[tilespmem:s28+$0x6410] =	vst.add.f32.msk $0xffff, v13;
	v14 =	vadd.f32 v17, v14  }
0x3e6: {  	v13 =	vor.u32 v3, v18;
	[tilespmem:s28+$0x6490] =	vst.add.f32.msk $0xffff, v15  }
0x3e7: {  	v16 =	vadd.f32 v19, v16;
	[tilespmem:s28+$0x6590] =	vst.add.f32.msk $0xffff, v14  }
0x3e8: {  	v15 =	vor.u32 v2, v12;
	v14 =	vld.idx.msk [tilespmem:v20+s19+$0x0], $0xffff  }
0x3e9: {  	v17 =	vor.u32 v2, v8;
	[tilespmem:s28+$0x6520] =	vst.add.f32.msk $0xffff, v16  }
0x3ea: {  	v16 =	vld [tilespmem:s28+$0xE530]  }
0x3eb: {  	v13 =	vld.idx.msk [tilespmem:v13+s19+$0x0], $0xffff  }
0x3ec: {  	v23 =	vld [tilespmem:s28+$0xE430];
	v19 =	vor.u32 v3, v11  }
0x3ed: {  	v15 =	vld.idx.msk [tilespmem:v15+s19+$0x0], $0xffff  }
0x3ee: {  	v20 =	vor.u32 v4, v18;
	v17 =	vld.idx.msk [tilespmem:v17+s19+$0x0], $0xffff;
	v14 =	vadd.f32 v21, v14  }
0x3ef: {  	v21 =	vld [tilespmem:s28+$0xE5A0]  }
0x3f0: {  	[tilespmem:s28+$0x6420] =	vst.add.f32.msk $0xffff, v14;
	v13 =	vadd.f32 v16, v13  }
0x3f1: {  	v14 =	vld.idx.msk [tilespmem:v19+s19+$0x0], $0xffff  }
0x3f2: {  	v16 =	vor.u32 v3, v12;
	[tilespmem:s28+$0x6530] =	vst.add.f32.msk $0xffff, v13  }
0x3f3: {  	v19 =	vor.u32 v3, v8;
	v13 =	vadd.f32 v22, v15;
	v15 =	vld.idx.msk [tilespmem:v20+s19+$0x0], $0xffff  }
0x3f4: {  	v17 =	vadd.f32 v21, v17;
	v20 =	vld [tilespmem:s28+$0xE540]  }
0x3f5: {  	[tilespmem:s28+$0x64A0] =	vst.add.f32.msk $0xffff, v13  }
0x3f6: {  	[tilespmem:s28+$0x65A0] =	vst.add.f32.msk $0xffff, v17  }
0x3f7: {  	v13 =	vld.idx.msk [tilespmem:v16+s19+$0x0], $0xffff  }
0x3f8: {  	v17 =	vld.idx.msk [tilespmem:v19+s19+$0x0], $0xffff  }
0x3f9: {  	v16 =	vor.u32 v5, v18;
	v19 =	vld [tilespmem:s28+$0xE4B0]  }
0x3fa: {  	v21 =	vld [tilespmem:s28+$0xE5B0];
	v14 =	vadd.f32 v23, v14  }
0x3fb: {  	v22 =	vld [tilespmem:s28+$0xE550];
	v15 =	vadd.f32 v20, v15  }
0x3fc: {  	[tilespmem:s28+$0x6430] =	vst.add.f32.msk $0xffff, v14  }
0x3fd: {  	v20 =	vor.u32 v4, v11;
	[tilespmem:s28+$0x6540] =	vst.add.f32.msk $0xffff, v15  }
0x3fe: {  	v14 =	vor.u32 v4, v8;
	v13 =	vadd.f32 v19, v13;
	v15 =	vld.idx.msk [tilespmem:v16+s19+$0x0], $0xffff  }
0x3ff: {  	v17 =	vadd.f32 v21, v17;
	v21 =	vld [tilespmem:s28+$0xE5C0]  }
0x400: {  	[tilespmem:s28+$0x64B0] =	vst.add.f32.msk $0xffff, v13  }
0x401: {  	[tilespmem:s28+$0x65B0] =	vst.add.f32.msk $0xffff, v17  }
0x402: {  	v13 =	vor.u32 v6, v18;
	v19 =	vld.idx.msk [tilespmem:v20+s19+$0x0], $0xffff  }
0x403: {  	v16 =	vor.u32 v4, v12;
	v14 =	vld.idx.msk [tilespmem:v14+s19+$0x0], $0xffff;
	v15 =	vadd.f32 v22, v15  }
0x404: {  	v20 =	vld [tilespmem:s28+$0xE4C0]  }
0x405: {  	[tilespmem:s28+$0x6550] =	vst.add.f32.msk $0xffff, v15  }
0x406: {  	v15 =	vld [tilespmem:s28+$0xE560]  }
0x407: {  	v13 =	vld.idx.msk [tilespmem:v13+s19+$0x0], $0xffff  }
0x408: {  	v16 =	vld.idx.msk [tilespmem:v16+s19+$0x0], $0xffff  }
0x409: {  	v17 =	vld [tilespmem:s28+$0xE440]  }
0x40a: {  	v23 =	vld [tilespmem:s28+$0xE4D0];
	v18 =	vor.u32 v7, v18;
	v14 =	vadd.f32 v21, v14  }
0x40b: {  	v22 =	vld [tilespmem:s28+$0xE450]  }
0x40c: {  	[tilespmem:s28+$0x65C0] =	vst.add.f32.msk $0xffff, v14;
	v13 =	vadd.f32 v15, v13  }
0x40d: {  	v16 =	vadd.f32 v20, v16;
	v20 =	vld [tilespmem:s28+$0xE570]  }
0x40e: {  	[tilespmem:s28+$0x6560] =	vst.add.f32.msk $0xffff, v13;
	v13 =	vadd.f32 v17, v19;
	v17 =	vor.u32 v5, v11  }
0x40f: {  	v19 =	vor.u32 v5, v12;
	v18 =	vld.idx.msk [tilespmem:v18+s19+$0x0], $0xffff  }
0x410: {  	[tilespmem:s28+$0x6440] =	vst.add.f32.msk $0xffff, v13;
	v13 =	vor.u32 v5, v8  }
0x411: {  	[tilespmem:s28+$0x64C0] =	vst.add.f32.msk $0xffff, v16  }
0x412: {  	v15 =	vld [tilespmem:s28+$0xE5D0]  }
0x413: {  	v14 =	vld.idx.msk [tilespmem:v17+s19+$0x0], $0xffff  }
0x414: {  	v16 =	vld.idx.msk [tilespmem:v19+s19+$0x0], $0xffff  }
0x415: {  	v17 =	vadd.f32 v20, v18;
	v20 =	vld.idx.msk [tilespmem:v13+s19+$0x0], $0xffff;
	_ =	sdelay $0x1  }
0x416: {  	v19 =	vld [tilespmem:s28+$0xE4E0]  }
0x417: {  	v21 =	vor.u32 v6, v11;
	[tilespmem:s28+$0x6570] =	vst.add.f32.msk $0xffff, v17;
	v14 =	vadd.f32 v22, v14  }
0x418: {  	v17 =	vld [tilespmem:s28+$0xE460];
	v16 =	vadd.f32 v23, v16;
	v22 =	vor.u32 v6, v12  }
0x419: {  	[tilespmem:s28+$0x6450] =	vst.add.f32.msk $0xffff, v14;
	v15 =	vadd.f32 v15, v20  }
0x41a: {  	s31 =	simm.s32 $0xC5;
	v14 =	vor.u32 v6, v8;
	[tilespmem:s28+$0x64D0] =	vst.add.f32.msk $0xffff, v16  }
0x41b: {  	[tilespmem:s28+$0x65D0] =	vst.add.f32.msk $0xffff, v15;
	v15 =	vmov s31  }
0x41c: {  	s30 =	simm.s32 $0xC6;
	v16 =	vld.idx.msk [tilespmem:v21+s19+$0x0], $0xffff;
	v15 =	vand.u32 $0xFFFFFFFD, v15  }
0x41d: {  	v21 =	vld.idx.msk [tilespmem:v22+s19+$0x0], $0xffff;
	v22 =	vmov s30;
	v23 =	vbroadcast v15, $0x0  }
0x41e: {  	v18 =	vld [tilespmem:s28+$0xE5E0];
	v22 =	vand.u32 $0xFFFFFFFE, v22  }
0x41f: {  	v20 =	vld.idx.msk [tilespmem:v14+s19+$0x0], $0xffff;
	v22 =	vbroadcast v22, $0x0  }
0x420: {  	v13 =	vld [tilespmem:s28+$0xE470]  }
0x421: {  	v15 =	vld [tilespmem:s28+$0xE5F0]  }
0x422: {  	s30 =	simm.s32 $0x4;
	v14 =	vld [tilespmem:s28+$0xE4F0];
	v16 =	vadd.f32 v17, v16  }
.LBB2_8:
0x423: {  	s0 =	sadd.s32 $0xC4, s30;
	v17 =	vld.idx.msk [tilespmem:v23+s18+$0x0], $0xffff;
	v23 =	vor.u32 v7, v11;
	v11 =	vadd.f32 v19, v21  }
0x424: {  	v19 =	vmov s0;
	[tilespmem:s28+$0x6460] =	vst.add.f32.msk $0xffff, v16;
	v16 =	vor.u32 v7, v12;
	v12 =	vadd.f32 v18, v20  }
0x425: {  	s0 =	sadd.s32 $0xC7, s30;
	v20 =	vor.u32 v7, v8;
	v18 =	vand.u32 $0xFFFFFFFC, v19;
	v19 =	vld.idx.msk [tilespmem:v22+s18+$0x0], $0xffff  }
0x426: {  	v21 =	vbroadcast v18, $0x0;
	v18 =	vmov s0;
	[tilespmem:s28+$0x64E0] =	vst.add.f32.msk $0xffff, v11  }
0x427: {  	v8 =	vshll.u32 v9, $0x7;
	[tilespmem:s28+$0x65E0] =	vst.add.f32.msk $0xffff, v12  }
0x428: {  	v22 =	vor.u32 v0, v8;
	v11 =	vshll.u32 v10, $0x7;
	v23 =	vld.idx.msk [tilespmem:v23+s19+$0x0], $0xffff  }
0x429: {  	v24 =	vor.u32 v0, v11;
	v12 =	vshll.u32 v17, $0x7;
	v16 =	vld.idx.msk [tilespmem:v16+s19+$0x0], $0xffff  }
0x42a: {  	v17 =	vor.u32 v0, v12;
	v20 =	vld.idx.msk [tilespmem:v20+s19+$0x0], $0xffff  }
0x42b: {  	v9 =	vld.idx.msk [tilespmem:v18+s18+$0x0], $0xffff;
	v18 =	vshll.u32 v19, $0x7  }
0x42c: {  	v10 =	vld.idx.msk [tilespmem:v21+s18+$0x0], $0xffff;
	v19 =	vor.u32 v0, v18  }
0x42d: {  	v21 =	vld.idx.msk [tilespmem:v22+s19+$0x0], $0xffff  }
0x42e: {  	v13 =	vadd.f32 v13, v23;
	v22 =	vld.idx.msk [tilespmem:v24+s19+$0x0], $0xffff  }
0x42f: {  	v16 =	vadd.f32 v14, v16;
	v23 =	vld.idx.msk [tilespmem:v17+s19+$0x0], $0xffff  }
0x430: {  	s29 =	sadd.s32 $0x800, s29;
	v17 =	vadd.f32 v15, v20;
	[tilespmem:s28+$0x6470] =	vst.add.f32.msk $0xffff, v13  }
0x431: {  	s31 =	sshra.s32 s29, $0x2;
	v13 =	vld.idx.msk [tilespmem:v19+s19+$0x0], $0xffff  }
0x432: {  	v14 =	vld [tilespmem:s31+$0xE500]  }
0x433: {  	v15 =	vld [tilespmem:s31+$0xE400]  }
0x434: {  	v19 =	vld [tilespmem:s31+$0xE480]  }
0x435: {  	v20 =	vor.u32 v1, v18;
	v24 =	vld [tilespmem:s31+$0xE580]  }
0x436: {  	v25 =	vld [tilespmem:s31+$0xE410]  }
0x437: {  	v26 =	vld [tilespmem:s31+$0xE490];
	v13 =	vadd.f32 v14, v13  }
0x438: {  	v14 =	vadd.f32 v15, v22;
	v15 =	vld [tilespmem:s31+$0xE590]  }
0x439: {  	v19 =	vadd.f32 v19, v23;
	[tilespmem:s31+$0x6500] =	vst.add.f32.msk $0xffff, v13  }
0x43a: {  	v13 =	vor.u32 v1, v11;
	v20 =	vld.idx.msk [tilespmem:v20+s19+$0x0], $0xffff;
	v21 =	vadd.f32 v24, v21  }
0x43b: {  	v22 =	vor.u32 v1, v12;
	v23 =	vld [tilespmem:s31+$0xE510]  }
0x43c: {  	[tilespmem:s31+$0x6400] =	vst.add.f32.msk $0xffff, v14;
	v14 =	vor.u32 v1, v8  }
0x43d: {  	[tilespmem:s31+$0x6480] =	vst.add.f32.msk $0xffff, v19  }
0x43e: {  	v19 =	vor.u32 v2, v18;
	[tilespmem:s31+$0x6580] =	vst.add.f32.msk $0xffff, v21  }
0x43f: {  	v13 =	vld.idx.msk [tilespmem:v13+s19+$0x0], $0xffff  }
0x440: {  	v21 =	vld.idx.msk [tilespmem:v22+s19+$0x0], $0xffff;
	v20 =	vadd.f32 v23, v20  }
0x441: {  	v14 =	vld.idx.msk [tilespmem:v14+s19+$0x0], $0xffff  }
0x442: {  	[tilespmem:s31+$0x6510] =	vst.add.f32.msk $0xffff, v20  }
0x443: {  	v19 =	vld.idx.msk [tilespmem:v19+s19+$0x0], $0xffff  }
0x444: {  	v20 =	vld [tilespmem:s31+$0xE520]  }
0x445: {  	v22 =	vor.u32 v2, v11;
	v13 =	vadd.f32 v25, v13;
	v23 =	vld [tilespmem:s31+$0xE420]  }
0x446: {  	v21 =	vadd.f32 v26, v21;
	v24 =	vld [tilespmem:s31+$0xE4A0]  }
0x447: {  	v14 =	vadd.f32 v15, v14;
	[tilespmem:s31+$0x6410] =	vst.add.f32.msk $0xffff, v13;
	v13 =	vor.u32 v3, v18  }
0x448: {  	[tilespmem:s31+$0x6490] =	vst.add.f32.msk $0xffff, v21  }
0x449: {  	v15 =	vor.u32 v2, v12;
	v19 =	vadd.f32 v20, v19;
	[tilespmem:s31+$0x6590] =	vst.add.f32.msk $0xffff, v14  }
0x44a: {  	v20 =	vor.u32 v2, v8;
	v14 =	vld.idx.msk [tilespmem:v22+s19+$0x0], $0xffff  }
0x44b: {  	[tilespmem:s31+$0x6520] =	vst.add.f32.msk $0xffff, v19  }
0x44c: {  	v13 =	vld.idx.msk [tilespmem:v13+s19+$0x0], $0xffff  }
0x44d: {  	v19 =	vld [tilespmem:s31+$0xE530]  }
0x44e: {  	v21 =	vor.u32 v3, v11;
	v15 =	vld.idx.msk [tilespmem:v15+s19+$0x0], $0xffff  }
0x44f: {  	v20 =	vld.idx.msk [tilespmem:v20+s19+$0x0], $0xffff  }
0x450: {  	v22 =	vor.u32 v4, v18;
	v14 =	vadd.f32 v23, v14;
	v23 =	vld [tilespmem:s31+$0xE5A0]  }
0x451: {  	v25 =	vld [tilespmem:s31+$0xE430]  }
0x452: {  	[tilespmem:s31+$0x6420] =	vst.add.f32.msk $0xffff, v14;
	v13 =	vadd.f32 v19, v13  }
0x453: {  	v14 =	vld.idx.msk [tilespmem:v21+s19+$0x0], $0xffff  }
0x454: {  	v19 =	vor.u32 v3, v12;
	v15 =	vadd.f32 v24, v15;
	[tilespmem:s31+$0x6530] =	vst.add.f32.msk $0xffff, v13  }
0x455: {  	v21 =	vor.u32 v3, v8;
	v13 =	vld.idx.msk [tilespmem:v22+s19+$0x0], $0xffff;
	v20 =	vadd.f32 v23, v20  }
0x456: {  	v22 =	vld [tilespmem:s31+$0xE540]  }
0x457: {  	[tilespmem:s31+$0x64A0] =	vst.add.f32.msk $0xffff, v15  }
0x458: {  	[tilespmem:s31+$0x65A0] =	vst.add.f32.msk $0xffff, v20  }
0x459: {  	v14 =	vadd.f32 v25, v14;
	v15 =	vld.idx.msk [tilespmem:v19+s19+$0x0], $0xffff;
	v19 =	vor.u32 v5, v18  }
0x45a: {  	v20 =	vld.idx.msk [tilespmem:v21+s19+$0x0], $0xffff  }
0x45b: {  	v21 =	vld [tilespmem:s31+$0xE4B0];
	v13 =	vadd.f32 v22, v13  }
0x45c: {  	v22 =	vor.u32 v4, v11;
	v23 =	vld [tilespmem:s31+$0xE5B0]  }
0x45d: {  	[tilespmem:s31+$0x6540] =	vst.add.f32.msk $0xffff, v13  }
0x45e: {  	v13 =	vld.idx.msk [tilespmem:v19+s19+$0x0], $0xffff  }
0x45f: {  	v19 =	vor.u32 v4, v12;
	v24 =	vld [tilespmem:s31+$0xE550]  }
0x460: {  	[tilespmem:s31+$0x6430] =	vst.add.f32.msk $0xffff, v14;
	v14 =	vadd.f32 v21, v15;
	v15 =	vor.u32 v4, v8  }
0x461: {  	v21 =	vld.idx.msk [tilespmem:v22+s19+$0x0], $0xffff;
	v20 =	vadd.f32 v23, v20  }
0x462: {  	[tilespmem:s31+$0x64B0] =	vst.add.f32.msk $0xffff, v14;
	v14 =	vor.u32 v6, v18  }
0x463: {  	[tilespmem:s31+$0x65B0] =	vst.add.f32.msk $0xffff, v20  }
0x464: {  	v19 =	vld.idx.msk [tilespmem:v19+s19+$0x0], $0xffff;
	v13 =	vadd.f32 v24, v13  }
0x465: {  	v15 =	vld.idx.msk [tilespmem:v15+s19+$0x0], $0xffff  }
0x466: {  	[tilespmem:s31+$0x6550] =	vst.add.f32.msk $0xffff, v13  }
0x467: {  	v13 =	vld.idx.msk [tilespmem:v14+s19+$0x0], $0xffff  }
0x468: {  	v14 =	vld [tilespmem:s31+$0xE560]  }
0x469: {  	v20 =	vld [tilespmem:s31+$0xE440]  }
0x46a: {  	v22 =	vld [tilespmem:s31+$0xE4C0]  }
0x46b: {  	v18 =	vor.u32 v7, v18;
	v23 =	vld [tilespmem:s31+$0xE5C0]  }
0x46c: {  	v24 =	vld [tilespmem:s31+$0xE450]  }
0x46d: {  	v25 =	vld [tilespmem:s31+$0xE4D0];
	v13 =	vadd.f32 v14, v13  }
0x46e: {  	v14 =	vadd.f32 v20, v21;
	v20 =	vld [tilespmem:s31+$0xE5D0]  }
0x46f: {  	v19 =	vadd.f32 v22, v19;
	[tilespmem:s31+$0x6560] =	vst.add.f32.msk $0xffff, v13  }
0x470: {  	v13 =	vor.u32 v5, v11;
	v18 =	vld.idx.msk [tilespmem:v18+s19+$0x0], $0xffff;
	v15 =	vadd.f32 v23, v15  }
0x471: {  	v21 =	vor.u32 v5, v12;
	v22 =	vld [tilespmem:s31+$0xE570]  }
0x472: {  	[tilespmem:s31+$0x6440] =	vst.add.f32.msk $0xffff, v14;
	v14 =	vor.u32 v5, v8  }
0x473: {  	[tilespmem:s31+$0x64C0] =	vst.add.f32.msk $0xffff, v19  }
0x474: {  	[tilespmem:s31+$0x65C0] =	vst.add.f32.msk $0xffff, v15  }
0x475: {  	v13 =	vld.idx.msk [tilespmem:v13+s19+$0x0], $0xffff  }
0x476: {  	v15 =	vld.idx.msk [tilespmem:v21+s19+$0x0], $0xffff;
	v18 =	vadd.f32 v22, v18  }
0x477: {  	v14 =	vld.idx.msk [tilespmem:v14+s19+$0x0], $0xffff  }
0x478: {  	[tilespmem:s31+$0x6570] =	vst.add.f32.msk $0xffff, v18  }
0x479: {  	v26 =	vld [tilespmem:s31+$0xE460]  }
0x47a: {  	v19 =	vld [tilespmem:s31+$0xE4E0]  }
0x47b: {  	v22 =	vor.u32 v6, v11;
	v21 =	vadd.f32 v24, v13;
	v18 =	vld [tilespmem:s31+$0xE5E0]  }
0x47c: {  	v24 =	vor.u32 v6, v12;
	v15 =	vadd.f32 v25, v15;
	v13 =	vld [tilespmem:s31+$0xE470]  }
0x47d: {  	v14 =	vadd.f32 v20, v14;
	v20 =	vor.u32 v6, v8;
	[tilespmem:s31+$0x6450] =	vst.add.f32.msk $0xffff, v21  }
0x47e: {  	s0 =	sadd.s32 $0xC5, s30;
	[tilespmem:s31+$0x64D0] =	vst.add.f32.msk $0xffff, v15  }
0x47f: {  	v15 =	vmov s0;
	[tilespmem:s31+$0x65D0] =	vst.add.f32.msk $0xffff, v14  }
0x480: {  	s0 =	sadd.s32 $0xC6, s30;
	s30 =	sadd.s32 $0x4, s30;
	v14 =	vand.u32 $0xFFFFFFFD, v15;
	v25 =	vld.idx.msk [tilespmem:v22+s19+$0x0], $0xffff  }
0x481: {  	p0 =	slt.u32 s30, $0x3C;
	v23 =	vbroadcast v14, $0x0;
	v14 =	vmov s0;
	v21 =	vld.idx.msk [tilespmem:v24+s19+$0x0], $0xffff  }
.Ltmp3:
0x482: {  	v14 =	vand.u32 $0xFFFFFFFE, v14;
	v20 =	vld.idx.msk [tilespmem:v20+s19+$0x0], $0xffff;
	(pc) =	sbr.rel @p0 .LBB2_8-.Ltmp3, $4  }
0x483: {  	v22 =	vbroadcast v14, $0x0;
	v14 =	vld [tilespmem:s31+$0xE4F0]  }
0x484: {  	v15 =	vld [tilespmem:s31+$0xE5F0]  }
0x485: {  	[tilespmem:s28+$0x64F0] =	vst.add.f32.msk $0xffff, v16  }
0x486: {  	v16 =	vadd.f32 v26, v25;
	[tilespmem:s28+$0x65F0] =	vst.add.f32.msk $0xffff, v17;
	s28 =	smov.u32 s31  }
0x487: {  	_ =	sdelay $0x3  }
0x488: {  	v17 =	vld.idx.msk [tilespmem:v23+s18+$0x0], $0xffff  }
0x489: {  	v22 =	vld.idx.msk [tilespmem:v22+s18+$0x0], $0xffff;
	v19 =	vadd.f32 v19, v21  }
0x48a: {  	v57 =	vadd.f32 v18, v20;
	[tilespmem:s28+$0x6460] =	vst.add.f32.msk $0xffff, v16  }
0x48b: {  	s0 =	sadd.s32 $0x800, s29;
	[tilespmem:s28+$0x64E0] =	vst.add.f32.msk $0xffff, v19  }
0x48c: {  	s29 =	sshra.s32 s0, $0x2;
	[tilespmem:s28+$0x65E0] =	vst.add.f32.msk $0xffff, v57  }
0x48d: {  	v33 =	vld [tilespmem:s29+$0xE500]  }
0x48e: {  	v34 =	vld [tilespmem:s29+$0xE400]  }
0x48f: {  	v24 =	vld [tilespmem:s29+$0xE480]  }
0x490: {  	v26 =	vld [tilespmem:s29+$0xE580]  }
0x491: {  	v27 =	vld [tilespmem:s29+$0xE410]  }
0x492: {  	v28 =	vld [tilespmem:s29+$0xE490]  }
0x493: {  	v35 =	vld [tilespmem:s29+$0xE590]  }
0x494: {  	v39 =	vld [tilespmem:s29+$0xE510]  }
0x495: {  	v44 =	vld [tilespmem:s29+$0xE520]  }
0x496: {  	v11 =	vor.u32 v7, v11;
	v46 =	vld [tilespmem:s29+$0xE420]  }
0x497: {  	v56 =	vor.u32 v7, v12;
	v12 =	vshll.u32 v10, $0x7;
	v47 =	vld [tilespmem:s29+$0xE4A0]  }
0x498: {  	v58 =	vor.u32 v7, v8;
	v8 =	vshll.u32 v9, $0x7;
	v60 =	vor.u32 v0, v12;
	v52 =	vld [tilespmem:s29+$0xE530]  }
0x499: {  	v59 =	vor.u32 v0, v8;
	v55 =	vld [tilespmem:s29+$0xE5A0]  }
0x49a: {  	v30 =	vld [tilespmem:s29+$0xE5B0]  }
0x49b: {  	v16 =	vshll.u32 v17, $0x7;
	v11 =	vld.idx.msk [tilespmem:v11+s19+$0x0], $0xffff  }
0x49c: {  	v22 =	vshll.u32 v22, $0x7;
	v9 =	vld.idx.msk [tilespmem:v56+s19+$0x0], $0xffff;
	v17 =	vor.u32 v0, v16  }
0x49d: {  	v61 =	vor.u32 v0, v22;
	v63 =	vld.idx.msk [tilespmem:v60+s19+$0x0], $0xffff  }
0x49e: {  	v62 =	vld.idx.msk [tilespmem:v59+s19+$0x0], $0xffff  }
0x49f: {  	v10 =	vld.idx.msk [tilespmem:v58+s19+$0x0], $0xffff  }
0x4a0: {  	v56 =	vld [tilespmem:s29+$0xE430]  }
0x4a1: {  	v36 =	vor.u32 v1, v12;
	v17 =	vld.idx.msk [tilespmem:v17+s19+$0x0], $0xffff  }
0x4a2: {  	v40 =	vor.u32 v1, v8;
	v32 =	vld.idx.msk [tilespmem:v61+s19+$0x0], $0xffff;
	v19 =	vadd.f32 v34, v63  }
0x4a3: {  	v18 =	vadd.f32 v26, v62;
	v62 =	vld [tilespmem:s29+$0xE540]  }
0x4a4: {  	[tilespmem:s29+$0x6400] =	vst.add.f32.msk $0xffff, v19  }
0x4a5: {  	[tilespmem:s29+$0x6580] =	vst.add.f32.msk $0xffff, v18  }
0x4a6: {  	v25 =	vor.u32 v1, v22;
	v42 =	vld.idx.msk [tilespmem:v36+s19+$0x0], $0xffff  }
0x4a7: {  	v19 =	vld.idx.msk [tilespmem:v40+s19+$0x0], $0xffff  }
0x4a8: {  	v36 =	vld [tilespmem:s29+$0xE560];
	v20 =	vadd.f32 v33, v32  }
0x4a9: {  	v38 =	vor.u32 v1, v16;
	v40 =	vld [tilespmem:s29+$0xE450]  }
0x4aa: {  	[tilespmem:s29+$0x6500] =	vst.add.f32.msk $0xffff, v20  }
0x4ab: {  	v17 =	vadd.f32 v24, v17;
	v37 =	vld.idx.msk [tilespmem:v25+s19+$0x0], $0xffff  }
0x4ac: {  	v32 =	vld [tilespmem:s29+$0xE550]  }
0x4ad: {  	[tilespmem:s29+$0x6480] =	vst.add.f32.msk $0xffff, v17  }
0x4ae: {  	v41 =	vor.u32 v2, v22;
	v43 =	vld.idx.msk [tilespmem:v38+s19+$0x0], $0xffff  }
0x4af: {  	v18 =	vadd.f32 v27, v42;
	v38 =	vld [tilespmem:s29+$0xE4C0]  }
0x4b0: {  	v45 =	vor.u32 v2, v12;
	v42 =	vld [tilespmem:s29+$0xE5D0];
	v23 =	vadd.f32 v39, v37  }
0x4b1: {  	v51 =	vor.u32 v2, v8;
	[tilespmem:s29+$0x6410] =	vst.add.f32.msk $0xffff, v18  }
0x4b2: {  	v19 =	vadd.f32 v35, v19;
	[tilespmem:s29+$0x6510] =	vst.add.f32.msk $0xffff, v23  }
0x4b3: {  	v17 =	vld.idx.msk [tilespmem:v41+s19+$0x0], $0xffff  }
0x4b4: {  	[tilespmem:s29+$0x6590] =	vst.add.f32.msk $0xffff, v19  }
0x4b5: {  	v50 =	vld.idx.msk [tilespmem:v45+s19+$0x0], $0xffff  }
0x4b6: {  	v48 =	vor.u32 v3, v22;
	v21 =	vld.idx.msk [tilespmem:v51+s19+$0x0], $0xffff  }
0x4b7: {  	v20 =	vadd.f32 v28, v43;
	v28 =	vld [tilespmem:s29+$0xE4B0]  }
0x4b8: {  	v49 =	vor.u32 v2, v16;
	v37 =	vld [tilespmem:s29+$0xE440];
	v17 =	vadd.f32 v44, v17  }
0x4b9: {  	v39 =	vld [tilespmem:s29+$0xE5C0]  }
0x4ba: {  	[tilespmem:s29+$0x6520] =	vst.add.f32.msk $0xffff, v17  }
0x4bb: {  	v17 =	vld.idx.msk [tilespmem:v48+s19+$0x0], $0xffff  }
0x4bc: {  	[tilespmem:s29+$0x6490] =	vst.add.f32.msk $0xffff, v20  }
0x4bd: {  	v20 =	vld.idx.msk [tilespmem:v49+s19+$0x0], $0xffff  }
0x4be: {  	v54 =	vor.u32 v4, v22;
	v41 =	vld [tilespmem:s29+$0xE4D0]  }
0x4bf: {  	v19 =	vadd.f32 v46, v50;
	v49 =	vld [tilespmem:s29+$0xE4E0]  }
0x4c0: {  	v53 =	vor.u32 v3, v12;
	v50 =	vld [tilespmem:s29+$0xE5E0];
	v17 =	vadd.f32 v52, v17  }
0x4c1: {  	v61 =	vor.u32 v3, v8;
	[tilespmem:s29+$0x6420] =	vst.add.f32.msk $0xffff, v19  }
0x4c2: {  	v21 =	vadd.f32 v55, v21;
	[tilespmem:s29+$0x6530] =	vst.add.f32.msk $0xffff, v17  }
0x4c3: {  	v60 =	vld.idx.msk [tilespmem:v54+s19+$0x0], $0xffff  }
0x4c4: {  	v58 =	vor.u32 v3, v16;
	[tilespmem:s29+$0x65A0] =	vst.add.f32.msk $0xffff, v21  }
0x4c5: {  	v57 =	vld.idx.msk [tilespmem:v53+s19+$0x0], $0xffff  }
0x4c6: {  	v63 =	vor.u32 v5, v22;
	v21 =	vld.idx.msk [tilespmem:v61+s19+$0x0], $0xffff;
	v59 =	vadd.f32 v47, v20  }
0x4c7: {  	v47 =	vld [tilespmem:s29+$0xE460]  }
0x4c8: {  	[tilespmem:s29+$0x64A0] =	vst.add.f32.msk $0xffff, v59;
	v20 =	vadd.f32 v62, v60  }
0x4c9: {  	v33 =	vor.u32 v4, v8;
	v17 =	vld.idx.msk [tilespmem:v58+s19+$0x0], $0xffff  }
0x4ca: {  	v29 =	vor.u32 v4, v12;
	v18 =	vadd.f32 v56, v57;
	[tilespmem:s29+$0x6540] =	vst.add.f32.msk $0xffff, v20  }
0x4cb: {  	v21 =	vadd.f32 v30, v21;
	v19 =	vld.idx.msk [tilespmem:v63+s19+$0x0], $0xffff  }
0x4cc: {  	v31 =	vor.u32 v4, v16;
	[tilespmem:s29+$0x6430] =	vst.add.f32.msk $0xffff, v18  }
0x4cd: {  	[tilespmem:s29+$0x65B0] =	vst.add.f32.msk $0xffff, v21  }
0x4ce: {  	v35 =	vor.u32 v6, v22;
	v18 =	vld.idx.msk [tilespmem:v33+s19+$0x0], $0xffff;
	v17 =	vadd.f32 v28, v17  }
0x4cf: {  	v34 =	vld.idx.msk [tilespmem:v29+s19+$0x0], $0xffff  }
0x4d0: {  	[tilespmem:s29+$0x64B0] =	vst.add.f32.msk $0xffff, v17;
	v19 =	vadd.f32 v32, v19  }
0x4d1: {  	v45 =	vor.u32 v5, v8;
	v20 =	vld.idx.msk [tilespmem:v31+s19+$0x0], $0xffff  }
0x4d2: {  	[tilespmem:s29+$0x6550] =	vst.add.f32.msk $0xffff, v19  }
0x4d3: {  	v43 =	vor.u32 v5, v12;
	v18 =	vadd.f32 v39, v18;
	v17 =	vld.idx.msk [tilespmem:v35+s19+$0x0], $0xffff  }
0x4d4: {  	v59 =	vld [tilespmem:s29+$0xE5F0]  }
0x4d5: {  	v21 =	vadd.f32 v37, v34;
	[tilespmem:s29+$0x65C0] =	vst.add.f32.msk $0xffff, v18  }
0x4d6: {  	v44 =	vor.u32 v5, v16;
	v18 =	vld.idx.msk [tilespmem:v45+s19+$0x0], $0xffff  }
0x4d7: {  	[tilespmem:s29+$0x6440] =	vst.add.f32.msk $0xffff, v21;
	v20 =	vadd.f32 v38, v20  }
0x4d8: {  	v46 =	vld.idx.msk [tilespmem:v43+s19+$0x0], $0xffff;
	v17 =	vadd.f32 v36, v17  }
0x4d9: {  	v52 =	vor.u32 v6, v8;
	[tilespmem:s29+$0x64C0] =	vst.add.f32.msk $0xffff, v20  }
0x4da: {  	[tilespmem:s29+$0x6560] =	vst.add.f32.msk $0xffff, v17  }
0x4db: {  	v18 =	vadd.f32 v42, v18;
	v17 =	vld.idx.msk [tilespmem:v44+s19+$0x0], $0xffff  }
0x4dc: {  	v48 =	vor.u32 v6, v12;
	v56 =	vld [tilespmem:s29+$0xE570]  }
0x4dd: {  	[tilespmem:s29+$0x65D0] =	vst.add.f32.msk $0xffff, v18  }
0x4de: {  	v51 =	vor.u32 v6, v16;
	v55 =	vld.idx.msk [tilespmem:v52+s19+$0x0], $0xffff;
	v20 =	vadd.f32 v40, v46  }
0x4df: {  	v57 =	vld [tilespmem:s29+$0xE470]  }
0x4e0: {  	[tilespmem:s29+$0x6450] =	vst.add.f32.msk $0xffff, v20;
	v17 =	vadd.f32 v41, v17  }
0x4e1: {  	v8 =	vor.u32 v7, v8;
	v53 =	vld.idx.msk [tilespmem:v48+s19+$0x0], $0xffff  }
0x4e2: {  	v22 =	vor.u32 v7, v22;
	[tilespmem:s29+$0x64D0] =	vst.add.f32.msk $0xffff, v17  }
0x4e3: {  	v19 =	vadd.f32 v50, v55;
	v54 =	vld.idx.msk [tilespmem:v51+s19+$0x0], $0xffff  }
0x4e4: {  	v12 =	vor.u32 v7, v12;
	v58 =	vld [tilespmem:s29+$0xE4F0]  }
0x4e5: {  	[tilespmem:s29+$0x65E0] =	vst.add.f32.msk $0xffff, v19  }
0x4e6: {  	v16 =	vor.u32 v7, v16;
	v8 =	vld.idx.msk [tilespmem:v8+s19+$0x0], $0xffff;
	v17 =	vadd.f32 v47, v53  }
0x4e7: {  	v22 =	vld.idx.msk [tilespmem:v22+s19+$0x0], $0xffff  }
0x4e8: {  	[tilespmem:s29+$0x6460] =	vst.add.f32.msk $0xffff, v17;
	v18 =	vadd.f32 v49, v54  }
0x4e9: {  	v12 =	vld.idx.msk [tilespmem:v12+s19+$0x0], $0xffff  }
0x4ea: {  	v11 =	vadd.f32 v13, v11;
	[tilespmem:s29+$0x64E0] =	vst.add.f32.msk $0xffff, v18  }
0x4eb: {  	v9 =	vadd.f32 v14, v9;
	v60 =	vld.idx.msk [tilespmem:v16+s19+$0x0], $0xffff  }
0x4ec: {  	v10 =	vadd.f32 v15, v10;
	[tilespmem:s28+$0x6470] =	vst.add.f32.msk $0xffff, v11  }
0x4ed: {  	[tilespmem:s28+$0x64F0] =	vst.add.f32.msk $0xffff, v9;
	v8 =	vadd.f32 v59, v8  }
0x4ee: {  	[tilespmem:s28+$0x65F0] =	vst.add.f32.msk $0xffff, v10;
	v61 =	vadd.f32 v56, v22  }
0x4ef: {  	[tilespmem:s29+$0x65F0] =	vst.add.f32.msk $0xffff, v8;
	v62 =	vadd.f32 v57, v12  }
0x4f0: {  	[tilespmem:s29+$0x6570] =	vst.add.f32.msk $0xffff, v61;
	v63 =	vadd.f32 v58, v60  }
0x4f1: {  	[tilespmem:s29+$0x6470] =	vst.add.f32.msk $0xffff, v62  }
0x4f2: {  	[tilespmem:s29+$0x64F0] =	vst.add.f32.msk $0xffff, v63  }
0x4f3: {  	[hbm4b:s11+s4] =	stream.linear.scatter [tilespmem:s24], [sflag:$0x4], $0x2000, $0x38;
	[tilespmem:$0x10400] =	vst v63  }
0x4f4: {  	_ =	swait.ge [sflag:s25], $0x2000  }
0x4f5: {  	[sflag:s25] =	ssyncset.done $0x0  }
0x4f6: {  	[sflag:s25] =	ssyncadd.s32 $0xFFFFE000  }
0x4f7: {  	_ =	swait.ge [sflag:s25], $0x2000  }
0x4f8: {  	[sflag:s25] =	ssyncset.done $0x0  }
0x4f9: {  	s26 =	sadd.s32 $0x1, s26;
	[sflag:s25] =	ssyncadd.s32 $0xFFFFE000  }
0x4fa: {  	p0 =	sne.s32 s26, s12;
	_ =	swait.ge [sflag:s25], $0x2000  }
.Ltmp4:
0x4fb: {  	[sflag:s25] =	ssyncset.done $0x0;
	(pc) =	sbr.rel @p0 .LBB2_1-.Ltmp4, $4  }
0x4fc: {  	[sflag:s25] =	ssyncadd.s32 $0xFFFFE000  }
0x4fd: {  	_ =	swait.ge [sflag:s25], $0x2000  }
0x4fe: {  	[sflag:s25] =	ssyncset.done $0x0  }
0x4ff: {  	[sflag:s25] =	ssyncadd.s32 $0xFFFFE000  }
0x500: {  	_ =	sfence.sel $0x180000  }
0x501: {  	[bflag:$0x0] =	sbarrier.arrive $0xFFFF  }
0x502: {  	_ =	strace $0x90000047  }
0x503: {  	[bflag:$0x2] =	sbarrier.arrive $0xFFFF  }
0x504: {  	p0 =	sne.s32 s3, $0x0;
	s0 =	rddreg [dreg:$0x5]  }
0x505: {  	s0 =	sadd.s32 @!p0 $0x100000, s0  }
0x506: {  	[sflag:s0] =	ssyncadd.tile.s32 @!p0 $0x1;
	_ =	shalt  }
.Lfunc_end2:
_tile_overlayer_lowered:
.L_overlay_start_2:
0x507: {  	(tag) =	ssettag $0x2  }
0x508: {  	s0 =	rddreg [dreg:$0x0];
	s2 =	stileid.u32  }
0x509: {  	s1 =	rddreg [dreg:$0x1];
	p0 =	sne.s32 s2, $0x0  }
0x50a: {  	s3 =	rddreg [dreg:$0x2];
	[bflag:$0x3] =	sbarrier.arrive $0xFFFF;
	s2 =	simm.s32 @!p0 $0x1C05  }
0x50b: {  	[timem:s3], [sflag:s2] =	dma.local @!p0 [hbm:s0], s1  }
0x50c: {  	s0 =	simm.s32 @!p0 $0x5  }
0x50d: {  	_ =	swait.ge @!p0 [sflag:s0], s1  }
0x50e: {  	s1 =	ssub.s32 @!p0 $0x0, s1;
	[sflag:s0] =	ssyncset.done @!p0 $0x0  }
0x50f: {  	[sflag:s0] =	ssyncadd.s32 @!p0 s1  }
0x510: {  	[bflag:$0x3] =	sbarrier.arrive $0xFFFF  }
0x511: {  	_ =	shalt  }

</sc_bundles>
